<compile_context>
chip_gen: v7x
topology: tpu7x:2x2x1
jax: 0.10.2.dev20260603
libtpu: 0.0.44.dev20260713+nightly
codegen_flags: <defaults>
</compile_context>

<pallas_src>
import functools

import jax
import jax.numpy as jnp
from jax import lax
from jax.experimental import pallas as pl
from jax.experimental.pallas import tpu as pltpu
from jax.experimental.pallas import tpu_sc as plsc

_NW = 32
_CHUNK = 128
_SUB = 128


def _sc_gather(user2d, item2d, E_um, E_im, *, batch):
    bpw = batch // _NW
    nch = bpw // _CHUNK
    nsub = bpw // _SUB
    fm = E_um.shape[1]

    mesh = plsc.VectorSubcoreMesh(core_axis_name="c", subcore_axis_name="s")

    @functools.partial(
        pl.kernel,
        mesh=mesh,
        out_type=[
            jax.ShapeDtypeStruct((batch, fm), jnp.float32),
            jax.ShapeDtypeStruct((batch, fm), jnp.float32),
        ],
        scratch_types=[
            pltpu.VMEM((nch, _CHUNK), jnp.int32),
            pltpu.VMEM((nch, _CHUNK), jnp.int32),
            pltpu.VMEM((3, _SUB, fm), jnp.float32),
            pltpu.VMEM((3, _SUB, fm), jnp.float32),
            pltpu.SemaphoreType.DMA,
            pltpu.SemaphoreType.DMA,
        ],
    )
    def k(user_h, item_h, eum_h, eim_h, out_mu, out_mi,
          idx_u, idx_i, buf_mu, buf_mi, semg, semw):
        wid = lax.axis_index("s") * 2 + lax.axis_index("c")
        base = wid * bpw
        pltpu.sync_copy(user_h.at[pl.ds(wid * nch, nch)], idx_u)
        pltpu.sync_copy(item_h.at[pl.ds(wid * nch, nch)], idx_i)
        per = _CHUNK // _SUB

        def idx_slice(idx, j):
            return idx.at[j // per, pl.ds((j % per) * _SUB, _SUB)]

        gh = {}
        wh = {}
        for j in range(nsub):
            b = j % 3
            if j >= 3:
                for hh in wh[j - 3]:
                    hh.wait()
            gh[j] = [
                pltpu.async_copy(eum_h.at[idx_slice(idx_u, j)],
                                 buf_mu.at[b], semg),
                pltpu.async_copy(eim_h.at[idx_slice(idx_i, j)],
                                 buf_mi.at[b], semg),
            ]
            if j >= 1:
                for hh in gh[j - 1]:
                    hh.wait()
                out_sl = pl.ds(base + (j - 1) * _SUB, _SUB)
                bb = (j - 1) % 3
                wh[j - 1] = [
                    pltpu.async_copy(buf_mu.at[bb], out_mu.at[out_sl], semw),
                    pltpu.async_copy(buf_mi.at[bb], out_mi.at[out_sl], semw),
                ]
        j = nsub - 1
        for hh in gh[j]:
            hh.wait()
        out_sl = pl.ds(base + j * _SUB, _SUB)
        wh[j] = [
            pltpu.async_copy(buf_mu.at[j % 3], out_mu.at[out_sl], semw),
            pltpu.async_copy(buf_mi.at[j % 3], out_mi.at[out_sl], semw),
        ]
        for jj in range(max(0, nsub - 3), nsub):
            for hh in wh[jj]:
                hh.wait()

    return k(user2d, item2d, E_um, E_im)


def _tc_mlp(mu, mi, W0a, W0b, b0, W1, b1, W2, b2, Wpb, bp, *, batch, tb):
    grid = (batch // tb,)
    rows = tb // 128

    def body(mu_ref, mi_ref, w0a, w0b, b0r, w1, b1r, w2, b2r, wpb, bpr,
             out_ref):
        f32 = jnp.float32
        h = jnp.dot(mu_ref[...], w0a[...], preferred_element_type=f32)
        h += jnp.dot(mi_ref[...], w0b[...], preferred_element_type=f32)
        h = jnp.maximum(h + b0r[...], 0.0)
        h = jnp.maximum(jnp.dot(h, w1[...], preferred_element_type=f32) + b1r[...], 0.0)
        h = jnp.maximum(jnp.dot(h, w2[...], preferred_element_type=f32) + b2r[...], 0.0)
        zm = jnp.sum(h * wpb[...], axis=1) + bpr[0, 0]
        out_ref[...] = zm.reshape(rows, 128)

    full = lambda shape: pl.BlockSpec(shape, lambda i: (0,) * len(shape))
    row = lambda shape: pl.BlockSpec(shape, lambda i: (i,) + (0,) * (len(shape) - 1))
    return pl.pallas_call(
        body,
        grid=grid,
        in_specs=[
            row((tb, mu.shape[1])), row((tb, mi.shape[1])),
            full(W0a.shape), full(W0b.shape), full(b0.shape),
            full(W1.shape), full(b1.shape),
            full(W2.shape), full(b2.shape),
            full(Wpb.shape), full((1, 1)),
        ],
        out_specs=row((rows, 128)),
        out_shape=jax.ShapeDtypeStruct((batch // 128, 128), jnp.float32),
        compiler_params=pltpu.CompilerParams(
            dimension_semantics=("arbitrary",)),
    )(mu, mi, W0a, W0b, b0, W1, b1, W2, b2, Wpb, bp)


def _tc_gmf(eu, ei, zmlp, Wpa, *, batch, tb, fg):
    grid = (batch // tb,)
    rows = tb // 128

    def body(eu_ref, ei_ref, z_ref, wpa, out_ref):
        f32 = jnp.float32
        gmfT = eu_ref[...] * ei_ref[...]
        zgT = jnp.dot(wpa[...], gmfT, preferred_element_type=f32)
        z = z_ref[...] + zgT.reshape(rows, 128)
        out_ref[...] = 1.0 / (1.0 + jnp.exp(-z))

    return pl.pallas_call(
        body,
        grid=grid,
        in_specs=[
            pl.BlockSpec((fg, tb), lambda i: (0, i)),
            pl.BlockSpec((fg, tb), lambda i: (0, i)),
            pl.BlockSpec((rows, 128), lambda i: (i, 0)),
            pl.BlockSpec((1, fg), lambda i: (0, 0)),
        ],
        out_specs=pl.BlockSpec((rows, 128), lambda i: (i, 0)),
        out_shape=jax.ShapeDtypeStruct((batch // 128, 128), jnp.float32),
        compiler_params=pltpu.CompilerParams(
            dimension_semantics=("arbitrary",)),
    )(eu, ei, zmlp, Wpa)


def kernel(user, item, E_ug, E_ig, E_um, E_im, W0, b0, W1, b1, W2, b2, Wp, bp):
    batch = user.shape[0]
    fm = E_um.shape[1]
    fg = E_ug.shape[1]
    user2d = user.reshape(batch // _CHUNK, _CHUNK)
    item2d = item.reshape(batch // _CHUNK, _CHUNK)
    mu, mi = _sc_gather(user2d, item2d, E_um, E_im, batch=batch)
    E_ug2, E_ig2, user3, item3, mu2, mi2 = lax.optimization_barrier(
        (E_ug, E_ig, user, item, mu, mi))
    eu = E_ug2.at[user3].get(mode="promise_in_bounds").T
    ei = E_ig2.at[item3].get(mode="promise_in_bounds").T
    W0a, W0b = W0[:fm, :], W0[fm:, :]
    Wpa, Wpb = Wp[:fg, :].reshape(1, fg), Wp[fg:, :].reshape(1, fg)
    zmlp = _tc_mlp(mu2, mi2,
                   W0a, W0b, b0.reshape(1, -1),
                   W1, b1.reshape(1, -1), W2, b2.reshape(1, -1),
                   Wpb, bp.reshape(1, 1),
                   batch=batch, tb=2048)
    pred = _tc_gmf(eu, ei, zmlp, Wpa, batch=batch, tb=8192, fg=fg)
    return pred.reshape(-1)

# --- scband reference (transcript-rebuilt; emitter-appended) ---
"""Pipeline reference for scband-ncf-10213432230374 (READ-ONLY COPY).

The authoritative reference and input builder live on the scoring server;
editing this copy changes nothing except your own understanding.
"""

import jax, jax.numpy as jnp
import numpy as np

USER_NUM = 1000000
ITEM_NUM = 1000000
FACTOR = 32
NUM_LAYERS = 3
BATCH = 16384
MLP_EMB = FACTOR * 2 ** (NUM_LAYERS - 1)  # 128


def setup_inputs(seed: int = 0) -> dict:
    key = jax.random.key(seed)
    ks = [jax.random.fold_in(key, i) for i in range(16)]
    user = jax.random.randint(ks[0], (BATCH,), 0, USER_NUM, dtype=jnp.int32)
    item = jax.random.randint(ks[1], (BATCH,), 0, ITEM_NUM, dtype=jnp.int32)
    E_ug = jax.random.normal(ks[2], (USER_NUM, FACTOR), dtype=jnp.float32) * 0.01
    E_ig = jax.random.normal(ks[3], (ITEM_NUM, FACTOR), dtype=jnp.float32) * 0.01
    E_um = jax.random.normal(ks[4], (USER_NUM, MLP_EMB), dtype=jnp.float32) * 0.01
    E_im = jax.random.normal(ks[5], (ITEM_NUM, MLP_EMB), dtype=jnp.float32) * 0.01
    # MLP layer i: input_size = FACTOR * 2**(NUM_LAYERS - i), output = input//2
    def xavier(k, fan_in, fan_out):
        lim = float(np.sqrt(6.0 / (fan_in + fan_out)))
        return jax.random.uniform(k, (fan_in, fan_out), dtype=jnp.float32, minval=-lim, maxval=lim)
    in0 = FACTOR * 2 ** NUM_LAYERS          # 256
    W0 = xavier(ks[6], in0, in0 // 2)
    b0 = jnp.zeros((in0 // 2,), jnp.float32)
    in1 = in0 // 2                           # 128
    W1 = xavier(ks[7], in1, in1 // 2)
    b1 = jnp.zeros((in1 // 2,), jnp.float32)
    in2 = in1 // 2                           # 64
    W2 = xavier(ks[8], in2, in2 // 2)
    b2 = jnp.zeros((in2 // 2,), jnp.float32)
    predict_size = FACTOR * 2                # 64
    lim = float(np.sqrt(3.0 / predict_size))
    Wp = jax.random.uniform(ks[9], (predict_size, 1), dtype=jnp.float32, minval=-lim, maxval=lim)
    bp = jnp.zeros((1,), jnp.float32)
    return {"user": user, "item": item, "E_ug": E_ug, "E_ig": E_ig, "E_um": E_um, "E_im": E_im,
            "W0": W0, "b0": b0, "W1": W1, "b1": b1, "W2": W2, "b2": b2, "Wp": Wp, "bp": bp}


def reference(user, item, E_ug, E_ig, E_um, E_im, W0, b0, W1, b1, W2, b2, Wp, bp):
    # GMF branch
    eu_g = jnp.take(E_ug, user, axis=0)
    ei_g = jnp.take(E_ig, item, axis=0)
    out_gmf = eu_g * ei_g
    # MLP branch (dropout p=0 -> identity)
    eu_m = jnp.take(E_um, user, axis=0)
    ei_m = jnp.take(E_im, item, axis=0)
    x = jnp.concatenate([eu_m, ei_m], axis=-1)
    x = jax.nn.relu(x @ W0 + b0)
    x = jax.nn.relu(x @ W1 + b1)
    x = jax.nn.relu(x @ W2 + b2)
    concat = jnp.concatenate([out_gmf, x], axis=-1)
    pred = jax.nn.sigmoid(concat @ Wp + bp)
    return pred.reshape(-1)

if __name__ == "__main__":
    import jax
    _d = setup_inputs()
    print(jax.jit(kernel)(*tuple(_d.values())))

</pallas_src>

<mosaic_0001>
#map = affine_map<(d0, d1) -> (0, 0)>
module attributes {stable_mosaic.version = 14 : i64} {
  func.func @k(%arg0: i32, %arg1: i32, %arg2: memref<128x128xi32, #tpu.memory_space<hbm>>, %arg3: memref<128x128xi32, #tpu.memory_space<hbm>>, %arg4: memref<1000000x128xf32, #tpu.memory_space<hbm>>, %arg5: memref<1000000x128xf32, #tpu.memory_space<hbm>>, %arg6: memref<16384x128xf32, #tpu.memory_space<hbm>>, %arg7: memref<16384x128xf32, #tpu.memory_space<hbm>>, %arg8: memref<4x128xi32, #tpu.memory_space<vmem>>, %arg9: memref<4x128xi32, #tpu.memory_space<vmem>>, %arg10: memref<3x128x128xf32, #tpu.memory_space<vmem>>, %arg11: memref<3x128x128xf32, #tpu.memory_space<vmem>>, %arg12: memref<!tpu.dma_semaphore, #tpu.memory_space<semaphore_mem>>, %arg13: memref<!tpu.dma_semaphore, #tpu.memory_space<semaphore_mem>>) attributes {dimension_semantics = [#tpu.dimension_semantics<core_parallel>, #tpu.dimension_semantics<subcore_parallel>], iteration_bounds = array<i64: 2, 16>, scalar_prefetch = 0 : i64, scratch_operands = 6 : i64, tpu.core_type = #tpu.core_type<sc_vector_subcore>, window_params = [{transform_indices = #map}, {transform_indices = #map}, {transform_indices = #map}, {transform_indices = #map}, {transform_indices = #map}, {transform_indices = #map}]} {
    %mul3A = arith.constant 2 : i32
    %mul3A_0 = arith.muli %arg1, %mul3A : i32
    %add3A = arith.addi %mul3A_0, %arg0 : i32
    %mul3A_1 = arith.constant 512 : i32
    %mul3A_2 = arith.muli %add3A, %mul3A_1 : i32
    %mul3A_3 = arith.constant 4 : i32
    %mul3A_4 = arith.muli %add3A, %mul3A_3 : i32
    "tpu.region"() ({
      %run_scoped3A = tpu.sem_alloc : memref<!tpu.dma_semaphore, #tpu.memory_space<semaphore_mem>>
      %dma_start3A_413 = arith.constant 0 : i32
      %dma_start3A_414 = tpu.memref_slice %arg2[%mul3A_4, %dma_start3A_413] : memref<128x128xi32, #tpu.memory_space<hbm>> -> memref<4x128xi32, #tpu.memory_space<hbm>>
      %dma_start3A_415 = arith.constant 0 : i32
      %dma_start3A_416 = tpu.memref_slice %arg2[%mul3A_4, %dma_start3A_415] : memref<128x128xi32, #tpu.memory_space<hbm>> -> memref<4x128xi32, #tpu.memory_space<hbm>>
      tpu.enqueue_dma source(%dma_start3A_416 : memref<4x128xi32, #tpu.memory_space<hbm>>) target(%arg8 : memref<4x128xi32, #tpu.memory_space<vmem>>) target_semaphore(%run_scoped3A : memref<!tpu.dma_semaphore, #tpu.memory_space<semaphore_mem>>)
      %dma_wait3A_417 = arith.constant 0 : i32
      %dma_wait3A_418 = tpu.memref_slice %arg2[%mul3A_4, %dma_wait3A_417] : memref<128x128xi32, #tpu.memory_space<hbm>> -> memref<4x128xi32, #tpu.memory_space<hbm>>
      %dma_wait3A_419 = arith.constant 0 : i32
      %dma_wait3A_420 = tpu.memref_slice %arg2[%mul3A_4, %dma_wait3A_419] : memref<128x128xi32, #tpu.memory_space<hbm>> -> memref<4x128xi32, #tpu.memory_space<hbm>>
      tpu.wait_dma2 semaphore(%run_scoped3A : memref<!tpu.dma_semaphore, #tpu.memory_space<semaphore_mem>>) src(%dma_wait3A_420 : memref<4x128xi32, #tpu.memory_space<hbm>>) dst(%arg8 : memref<4x128xi32, #tpu.memory_space<vmem>>)
      tpu.yield
    }) : () -> ()
    %mul3A_5 = arith.constant 4 : i32
    %mul3A_6 = arith.muli %add3A, %mul3A_5 : i32
    "tpu.region"() ({
      %run_scoped3A = tpu.sem_alloc : memref<!tpu.dma_semaphore, #tpu.memory_space<semaphore_mem>>
      %dma_start3A_413 = arith.constant 0 : i32
      %dma_start3A_414 = tpu.memref_slice %arg3[%mul3A_6, %dma_start3A_413] : memref<128x128xi32, #tpu.memory_space<hbm>> -> memref<4x128xi32, #tpu.memory_space<hbm>>
      %dma_start3A_415 = arith.constant 0 : i32
      %dma_start3A_416 = tpu.memref_slice %arg3[%mul3A_6, %dma_start3A_415] : memref<128x128xi32, #tpu.memory_space<hbm>> -> memref<4x128xi32, #tpu.memory_space<hbm>>
      tpu.enqueue_dma source(%dma_start3A_416 : memref<4x128xi32, #tpu.memory_space<hbm>>) target(%arg9 : memref<4x128xi32, #tpu.memory_space<vmem>>) target_semaphore(%run_scoped3A : memref<!tpu.dma_semaphore, #tpu.memory_space<semaphore_mem>>)
      %dma_wait3A_417 = arith.constant 0 : i32
      %dma_wait3A_418 = tpu.memref_slice %arg3[%mul3A_6, %dma_wait3A_417] : memref<128x128xi32, #tpu.memory_space<hbm>> -> memref<4x128xi32, #tpu.memory_space<hbm>>
      %dma_wait3A_419 = arith.constant 0 : i32
      %dma_wait3A_420 = tpu.memref_slice %arg3[%mul3A_6, %dma_wait3A_419] : memref<128x128xi32, #tpu.memory_space<hbm>> -> memref<4x128xi32, #tpu.memory_space<hbm>>
      tpu.wait_dma2 semaphore(%run_scoped3A : memref<!tpu.dma_semaphore, #tpu.memory_space<semaphore_mem>>) src(%dma_wait3A_420 : memref<4x128xi32, #tpu.memory_space<hbm>>) dst(%arg9 : memref<4x128xi32, #tpu.memory_space<vmem>>)
      tpu.yield
    }) : () -> ()
    %dma_start3A = arith.constant 0 : i32
    %dma_start3A_7 = arith.constant 0 : i32
    %dma_start3A_8 = arith.constant 0 : i32
    %dma_start3A_9 = arith.constant 0 : i32
    %dma_start3A_10 = tpu.memref_slice %arg10[%dma_start3A_7, %dma_start3A_8, %dma_start3A_9] : memref<3x128x128xf32, #tpu.memory_space<vmem>> -> memref<1x128x128xf32, #tpu.memory_space<vmem>>
    %dma_start3A_11 = tpu.memref_squeeze %dma_start3A_10 : memref<1x128x128xf32, #tpu.memory_space<vmem>> -> memref<128x128xf32, #tpu.memory_space<vmem>>
    %dma_start3A_12 = arith.constant 0 : i32
    %dma_start3A_13 = tpu.memref_slice %arg8[%dma_start3A, %dma_start3A_12] : memref<4x128xi32, #tpu.memory_space<vmem>> -> memref<1x128xi32, #tpu.memory_space<vmem>>
    %dma_start3A_14 = tpu.memref_squeeze %dma_start3A_13 : memref<1x128xi32, #tpu.memory_space<vmem>> -> memref<128xi32, #tpu.memory_space<vmem>>
    %dma_start3A_15 = arith.constant 0 : i32
    %dma_start3A_16 = arith.constant 0 : i32
    %dma_start3A_17 = tpu.memref_slice %arg4[%dma_start3A_15, %dma_start3A_16] : memref<1000000x128xf32, #tpu.memory_space<hbm>> -> memref<1000000x128xf32, #tpu.memory_space<hbm>>
    tpu.enqueue_indirect_dma source(%dma_start3A_17 : memref<1000000x128xf32, #tpu.memory_space<hbm>>) target(%dma_start3A_11 : memref<128x128xf32, #tpu.memory_space<vmem>>) offsets(%dma_start3A_14 : memref<128xi32, #tpu.memory_space<vmem>>) semaphore(%arg12 : memref<!tpu.dma_semaphore, #tpu.memory_space<semaphore_mem>>)
    %dma_start3A_18 = arith.constant 0 : i32
    %dma_start3A_19 = arith.constant 0 : i32
    %dma_start3A_20 = arith.constant 0 : i32
    %dma_start3A_21 = arith.constant 0 : i32
    %dma_start3A_22 = tpu.memref_slice %arg11[%dma_start3A_19, %dma_start3A_20, %dma_start3A_21] : memref<3x128x128xf32, #tpu.memory_space<vmem>> -> memref<1x128x128xf32, #tpu.memory_space<vmem>>
    %dma_start3A_23 = tpu.memref_squeeze %dma_start3A_22 : memref<1x128x128xf32, #tpu.memory_space<vmem>> -> memref<128x128xf32, #tpu.memory_space<vmem>>
    %dma_start3A_24 = arith.constant 0 : i32
    %dma_start3A_25 = tpu.memref_slice %arg9[%dma_start3A_18, %dma_start3A_24] : memref<4x128xi32, #tpu.memory_space<vmem>> -> memref<1x128xi32, #tpu.memory_space<vmem>>
    %dma_start3A_26 = tpu.memref_squeeze %dma_start3A_25 : memref<1x128xi32, #tpu.memory_space<vmem>> -> memref<128xi32, #tpu.memory_space<vmem>>
    %dma_start3A_27 = arith.constant 0 : i32
    %dma_start3A_28 = arith.constant 0 : i32
    %dma_start3A_29 = tpu.memref_slice %arg5[%dma_start3A_27, %dma_start3A_28] : memref<1000000x128xf32, #tpu.memory_space<hbm>> -> memref<1000000x128xf32, #tpu.memory_space<hbm>>
    tpu.enqueue_indirect_dma source(%dma_start3A_29 : memref<1000000x128xf32, #tpu.memory_space<hbm>>) target(%dma_start3A_23 : memref<128x128xf32, #tpu.memory_space<vmem>>) offsets(%dma_start3A_26 : memref<128xi32, #tpu.memory_space<vmem>>) semaphore(%arg12 : memref<!tpu.dma_semaphore, #tpu.memory_space<semaphore_mem>>)
    %dma_start3A_30 = arith.constant 1 : i32
    %dma_start3A_31 = arith.constant 1 : i32
    %dma_start3A_32 = arith.constant 0 : i32
    %dma_start3A_33 = arith.constant 0 : i32
    %dma_start3A_34 = tpu.memref_slice %arg10[%dma_start3A_31, %dma_start3A_32, %dma_start3A_33] : memref<3x128x128xf32, #tpu.memory_space<vmem>> -> memref<1x128x128xf32, #tpu.memory_space<vmem>>
    %dma_start3A_35 = tpu.memref_squeeze %dma_start3A_34 : memref<1x128x128xf32, #tpu.memory_space<vmem>> -> memref<128x128xf32, #tpu.memory_space<vmem>>
    %dma_start3A_36 = arith.constant 0 : i32
    %dma_start3A_37 = tpu.memref_slice %arg8[%dma_start3A_30, %dma_start3A_36] : memref<4x128xi32, #tpu.memory_space<vmem>> -> memref<1x128xi32, #tpu.memory_space<vmem>>
    %dma_start3A_38 = tpu.memref_squeeze %dma_start3A_37 : memref<1x128xi32, #tpu.memory_space<vmem>> -> memref<128xi32, #tpu.memory_space<vmem>>
    %dma_start3A_39 = arith.constant 0 : i32
    %dma_start3A_40 = arith.constant 0 : i32
    %dma_start3A_41 = tpu.memref_slice %arg4[%dma_start3A_39, %dma_start3A_40] : memref<1000000x128xf32, #tpu.memory_space<hbm>> -> memref<1000000x128xf32, #tpu.memory_space<hbm>>
    tpu.enqueue_indirect_dma source(%dma_start3A_41 : memref<1000000x128xf32, #tpu.memory_space<hbm>>) target(%dma_start3A_35 : memref<128x128xf32, #tpu.memory_space<vmem>>) offsets(%dma_start3A_38 : memref<128xi32, #tpu.memory_space<vmem>>) semaphore(%arg12 : memref<!tpu.dma_semaphore, #tpu.memory_space<semaphore_mem>>)
    %dma_start3A_42 = arith.constant 1 : i32
    %dma_start3A_43 = arith.constant 1 : i32
    %dma_start3A_44 = arith.constant 0 : i32
    %dma_start3A_45 = arith.constant 0 : i32
    %dma_start3A_46 = tpu.memref_slice %arg11[%dma_start3A_43, %dma_start3A_44, %dma_start3A_45] : memref<3x128x128xf32, #tpu.memory_space<vmem>> -> memref<1x128x128xf32, #tpu.memory_space<vmem>>
    %dma_start3A_47 = tpu.memref_squeeze %dma_start3A_46 : memref<1x128x128xf32, #tpu.memory_space<vmem>> -> memref<128x128xf32, #tpu.memory_space<vmem>>
    %dma_start3A_48 = arith.constant 0 : i32
    %dma_start3A_49 = tpu.memref_slice %arg9[%dma_start3A_42, %dma_start3A_48] : memref<4x128xi32, #tpu.memory_space<vmem>> -> memref<1x128xi32, #tpu.memory_space<vmem>>
    %dma_start3A_50 = tpu.memref_squeeze %dma_start3A_49 : memref<1x128xi32, #tpu.memory_space<vmem>> -> memref<128xi32, #tpu.memory_space<vmem>>
    %dma_start3A_51 = arith.constant 0 : i32
    %dma_start3A_52 = arith.constant 0 : i32
    %dma_start3A_53 = tpu.memref_slice %arg5[%dma_start3A_51, %dma_start3A_52] : memref<1000000x128xf32, #tpu.memory_space<hbm>> -> memref<1000000x128xf32, #tpu.memory_space<hbm>>
    tpu.enqueue_indirect_dma source(%dma_start3A_53 : memref<1000000x128xf32, #tpu.memory_space<hbm>>) target(%dma_start3A_47 : memref<128x128xf32, #tpu.memory_space<vmem>>) offsets(%dma_start3A_50 : memref<128xi32, #tpu.memory_space<vmem>>) semaphore(%arg12 : memref<!tpu.dma_semaphore, #tpu.memory_space<semaphore_mem>>)
    %dma_wait3A = arith.constant 0 : i32
    %dma_wait3A_54 = arith.constant 0 : i32
    %dma_wait3A_55 = arith.constant 0 : i32
    %dma_wait3A_56 = arith.constant 0 : i32
    %dma_wait3A_57 = tpu.memref_slice %arg10[%dma_wait3A_54, %dma_wait3A_55, %dma_wait3A_56] : memref<3x128x128xf32, #tpu.memory_space<vmem>> -> memref<1x128x128xf32, #tpu.memory_space<vmem>>
    %dma_wait3A_58 = tpu.memref_squeeze %dma_wait3A_57 : memref<1x128x128xf32, #tpu.memory_space<vmem>> -> memref<128x128xf32, #tpu.memory_space<vmem>>
    %dma_wait3A_59 = arith.constant 0 : i32
    %dma_wait3A_60 = tpu.memref_slice %arg8[%dma_wait3A, %dma_wait3A_59] : memref<4x128xi32, #tpu.memory_space<vmem>> -> memref<1x128xi32, #tpu.memory_space<vmem>>
    %dma_wait3A_61 = tpu.memref_squeeze %dma_wait3A_60 : memref<1x128xi32, #tpu.memory_space<vmem>> -> memref<128xi32, #tpu.memory_space<vmem>>
    %dma_wait3A_62 = arith.constant 0 : i32
    %dma_wait3A_63 = arith.constant 0 : i32
    %dma_wait3A_64 = tpu.memref_slice %arg4[%dma_wait3A_62, %dma_wait3A_63] : memref<1000000x128xf32, #tpu.memory_space<hbm>> -> memref<1000000x128xf32, #tpu.memory_space<hbm>>
    tpu.wait_indirect_dma semaphore(%arg12 : memref<!tpu.dma_semaphore, #tpu.memory_space<semaphore_mem>>) src(%dma_wait3A_64 : memref<1000000x128xf32, #tpu.memory_space<hbm>>) dst(%dma_wait3A_58 : memref<128x128xf32, #tpu.memory_space<vmem>>)
    %dma_wait3A_65 = arith.constant 0 : i32
    %dma_wait3A_66 = arith.constant 0 : i32
    %dma_wait3A_67 = arith.constant 0 : i32
    %dma_wait3A_68 = arith.constant 0 : i32
    %dma_wait3A_69 = tpu.memref_slice %arg11[%dma_wait3A_66, %dma_wait3A_67, %dma_wait3A_68] : memref<3x128x128xf32, #tpu.memory_space<vmem>> -> memref<1x128x128xf32, #tpu.memory_space<vmem>>
    %dma_wait3A_70 = tpu.memref_squeeze %dma_wait3A_69 : memref<1x128x128xf32, #tpu.memory_space<vmem>> -> memref<128x128xf32, #tpu.memory_space<vmem>>
    %dma_wait3A_71 = arith.constant 0 : i32
    %dma_wait3A_72 = tpu.memref_slice %arg9[%dma_wait3A_65, %dma_wait3A_71] : memref<4x128xi32, #tpu.memory_space<vmem>> -> memref<1x128xi32, #tpu.memory_space<vmem>>
    %dma_wait3A_73 = tpu.memref_squeeze %dma_wait3A_72 : memref<1x128xi32, #tpu.memory_space<vmem>> -> memref<128xi32, #tpu.memory_space<vmem>>
    %dma_wait3A_74 = arith.constant 0 : i32
    %dma_wait3A_75 = arith.constant 0 : i32
    %dma_wait3A_76 = tpu.memref_slice %arg5[%dma_wait3A_74, %dma_wait3A_75] : memref<1000000x128xf32, #tpu.memory_space<hbm>> -> memref<1000000x128xf32, #tpu.memory_space<hbm>>
    tpu.wait_indirect_dma semaphore(%arg12 : memref<!tpu.dma_semaphore, #tpu.memory_space<semaphore_mem>>) src(%dma_wait3A_76 : memref<1000000x128xf32, #tpu.memory_space<hbm>>) dst(%dma_wait3A_70 : memref<128x128xf32, #tpu.memory_space<vmem>>)
    %add3A_77 = arith.constant 0 : i32
    %add3A_78 = arith.addi %mul3A_2, %add3A_77 : i32
    %dma_start3A_79 = arith.constant 0 : i32
    %dma_start3A_80 = arith.constant 0 : i32
    %dma_start3A_81 = arith.constant 0 : i32
    %dma_start3A_82 = tpu.memref_slice %arg10[%dma_start3A_79, %dma_start3A_80, %dma_start3A_81] : memref<3x128x128xf32, #tpu.memory_space<vmem>> -> memref<1x128x128xf32, #tpu.memory_space<vmem>>
    %dma_start3A_83 = tpu.memref_squeeze %dma_start3A_82 : memref<1x128x128xf32, #tpu.memory_space<vmem>> -> memref<128x128xf32, #tpu.memory_space<vmem>>
    %dma_start3A_84 = arith.constant 0 : i32
    %dma_start3A_85 = tpu.memref_slice %arg6[%add3A_78, %dma_start3A_84] : memref<16384x128xf32, #tpu.memory_space<hbm>> -> memref<128x128xf32, #tpu.memory_space<hbm>>
    %dma_start3A_86 = arith.constant 0 : i32
    %dma_start3A_87 = tpu.memref_slice %arg6[%add3A_78, %dma_start3A_86] : memref<16384x128xf32, #tpu.memory_space<hbm>> -> memref<128x128xf32, #tpu.memory_space<hbm>>
    %dma_start3A_88 = arith.constant 0 : i32
    %dma_start3A_89 = arith.constant 0 : i32
    %dma_start3A_90 = tpu.memref_slice %arg10[%dma_start3A_79, %dma_start3A_88, %dma_start3A_89] : memref<3x128x128xf32, #tpu.memory_space<vmem>> -> memref<1x128x128xf32, #tpu.memory_space<vmem>>
    %dma_start3A_91 = tpu.memref_squeeze %dma_start3A_90 : memref<1x128x128xf32, #tpu.memory_space<vmem>> -> memref<128x128xf32, #tpu.memory_space<vmem>>
    tpu.enqueue_dma source(%dma_start3A_91 : memref<128x128xf32, #tpu.memory_space<vmem>>) target(%dma_start3A_87 : memref<128x128xf32, #tpu.memory_space<hbm>>) target_semaphore(%arg13 : memref<!tpu.dma_semaphore, #tpu.memory_space<semaphore_mem>>)
    %dma_start3A_92 = arith.constant 0 : i32
    %dma_start3A_93 = arith.constant 0 : i32
    %dma_start3A_94 = arith.constant 0 : i32
    %dma_start3A_95 = tpu.memref_slice %arg11[%dma_start3A_92, %dma_start3A_93, %dma_start3A_94] : memref<3x128x128xf32, #tpu.memory_space<vmem>> -> memref<1x128x128xf32, #tpu.memory_space<vmem>>
    %dma_start3A_96 = tpu.memref_squeeze %dma_start3A_95 : memref<1x128x128xf32, #tpu.memory_space<vmem>> -> memref<128x128xf32, #tpu.memory_space<vmem>>
    %dma_start3A_97 = arith.constant 0 : i32
    %dma_start3A_98 = tpu.memref_slice %arg7[%add3A_78, %dma_start3A_97] : memref<16384x128xf32, #tpu.memory_space<hbm>> -> memref<128x128xf32, #tpu.memory_space<hbm>>
    %dma_start3A_99 = arith.constant 0 : i32
    %dma_start3A_100 = tpu.memref_slice %arg7[%add3A_78, %dma_start3A_99] : memref<16384x128xf32, #tpu.memory_space<hbm>> -> memref<128x128xf32, #tpu.memory_space<hbm>>
    %dma_start3A_101 = arith.constant 0 : i32
    %dma_start3A_102 = arith.constant 0 : i32
    %dma_start3A_103 = tpu.memref_slice %arg11[%dma_start3A_92, %dma_start3A_101, %dma_start3A_102] : memref<3x128x128xf32, #tpu.memory_space<vmem>> -> memref<1x128x128xf32, #tpu.memory_space<vmem>>
    %dma_start3A_104 = tpu.memref_squeeze %dma_start3A_103 : memref<1x128x128xf32, #tpu.memory_space<vmem>> -> memref<128x128xf32, #tpu.memory_space<vmem>>
    tpu.enqueue_dma source(%dma_start3A_104 : memref<128x128xf32, #tpu.memory_space<vmem>>) target(%dma_start3A_100 : memref<128x128xf32, #tpu.memory_space<hbm>>) target_semaphore(%arg13 : memref<!tpu.dma_semaphore, #tpu.memory_space<semaphore_mem>>)
    %dma_start3A_105 = arith.constant 2 : i32
    %dma_start3A_106 = arith.constant 2 : i32
    %dma_start3A_107 = arith.constant 0 : i32
    %dma_start3A_108 = arith.constant 0 : i32
    %dma_start3A_109 = tpu.memref_slice %arg10[%dma_start3A_106, %dma_start3A_107, %dma_start3A_108] : memref<3x128x128xf32, #tpu.memory_space<vmem>> -> memref<1x128x128xf32, #tpu.memory_space<vmem>>
    %dma_start3A_110 = tpu.memref_squeeze %dma_start3A_109 : memref<1x128x128xf32, #tpu.memory_space<vmem>> -> memref<128x128xf32, #tpu.memory_space<vmem>>
    %dma_start3A_111 = arith.constant 0 : i32
    %dma_start3A_112 = tpu.memref_slice %arg8[%dma_start3A_105, %dma_start3A_111] : memref<4x128xi32, #tpu.memory_space<vmem>> -> memref<1x128xi32, #tpu.memory_space<vmem>>
    %dma_start3A_113 = tpu.memref_squeeze %dma_start3A_112 : memref<1x128xi32, #tpu.memory_space<vmem>> -> memref<128xi32, #tpu.memory_space<vmem>>
    %dma_start3A_114 = arith.constant 0 : i32
    %dma_start3A_115 = arith.constant 0 : i32
    %dma_start3A_116 = tpu.memref_slice %arg4[%dma_start3A_114, %dma_start3A_115] : memref<1000000x128xf32, #tpu.memory_space<hbm>> -> memref<1000000x128xf32, #tpu.memory_space<hbm>>
    tpu.enqueue_indirect_dma source(%dma_start3A_116 : memref<1000000x128xf32, #tpu.memory_space<hbm>>) target(%dma_start3A_110 : memref<128x128xf32, #tpu.memory_space<vmem>>) offsets(%dma_start3A_113 : memref<128xi32, #tpu.memory_space<vmem>>) semaphore(%arg12 : memref<!tpu.dma_semaphore, #tpu.memory_space<semaphore_mem>>)
    %dma_start3A_117 = arith.constant 2 : i32
    %dma_start3A_118 = arith.constant 2 : i32
    %dma_start3A_119 = arith.constant 0 : i32
    %dma_start3A_120 = arith.constant 0 : i32
    %dma_start3A_121 = tpu.memref_slice %arg11[%dma_start3A_118, %dma_start3A_119, %dma_start3A_120] : memref<3x128x128xf32, #tpu.memory_space<vmem>> -> memref<1x128x128xf32, #tpu.memory_space<vmem>>
    %dma_start3A_122 = tpu.memref_squeeze %dma_start3A_121 : memref<1x128x128xf32, #tpu.memory_space<vmem>> -> memref<128x128xf32, #tpu.memory_space<vmem>>
    %dma_start3A_123 = arith.constant 0 : i32
    %dma_start3A_124 = tpu.memref_slice %arg9[%dma_start3A_117, %dma_start3A_123] : memref<4x128xi32, #tpu.memory_space<vmem>> -> memref<1x128xi32, #tpu.memory_space<vmem>>
    %dma_start3A_125 = tpu.memref_squeeze %dma_start3A_124 : memref<1x128xi32, #tpu.memory_space<vmem>> -> memref<128xi32, #tpu.memory_space<vmem>>
    %dma_start3A_126 = arith.constant 0 : i32
    %dma_start3A_127 = arith.constant 0 : i32
    %dma_start3A_128 = tpu.memref_slice %arg5[%dma_start3A_126, %dma_start3A_127] : memref<1000000x128xf32, #tpu.memory_space<hbm>> -> memref<1000000x128xf32, #tpu.memory_space<hbm>>
    tpu.enqueue_indirect_dma source(%dma_start3A_128 : memref<1000000x128xf32, #tpu.memory_space<hbm>>) target(%dma_start3A_122 : memref<128x128xf32, #tpu.memory_space<vmem>>) offsets(%dma_start3A_125 : memref<128xi32, #tpu.memory_space<vmem>>) semaphore(%arg12 : memref<!tpu.dma_semaphore, #tpu.memory_space<semaphore_mem>>)
    %dma_wait3A_129 = arith.constant 1 : i32
    %dma_wait3A_130 = arith.constant 1 : i32
    %dma_wait3A_131 = arith.constant 0 : i32
    %dma_wait3A_132 = arith.constant 0 : i32
    %dma_wait3A_133 = tpu.memref_slice %arg10[%dma_wait3A_130, %dma_wait3A_131, %dma_wait3A_132] : memref<3x128x128xf32, #tpu.memory_space<vmem>> -> memref<1x128x128xf32, #tpu.memory_space<vmem>>
    %dma_wait3A_134 = tpu.memref_squeeze %dma_wait3A_133 : memref<1x128x128xf32, #tpu.memory_space<vmem>> -> memref<128x128xf32, #tpu.memory_space<vmem>>
    %dma_wait3A_135 = arith.constant 0 : i32
    %dma_wait3A_136 = tpu.memref_slice %arg8[%dma_wait3A_129, %dma_wait3A_135] : memref<4x128xi32, #tpu.memory_space<vmem>> -> memref<1x128xi32, #tpu.memory_space<vmem>>
    %dma_wait3A_137 = tpu.memref_squeeze %dma_wait3A_136 : memref<1x128xi32, #tpu.memory_space<vmem>> -> memref<128xi32, #tpu.memory_space<vmem>>
    %dma_wait3A_138 = arith.constant 0 : i32
    %dma_wait3A_139 = arith.constant 0 : i32
    %dma_wait3A_140 = tpu.memref_slice %arg4[%dma_wait3A_138, %dma_wait3A_139] : memref<1000000x128xf32, #tpu.memory_space<hbm>> -> memref<1000000x128xf32, #tpu.memory_space<hbm>>
    tpu.wait_indirect_dma semaphore(%arg12 : memref<!tpu.dma_semaphore, #tpu.memory_space<semaphore_mem>>) src(%dma_wait3A_140 : memref<1000000x128xf32, #tpu.memory_space<hbm>>) dst(%dma_wait3A_134 : memref<128x128xf32, #tpu.memory_space<vmem>>)
    %dma_wait3A_141 = arith.constant 1 : i32
    %dma_wait3A_142 = arith.constant 1 : i32
    %dma_wait3A_143 = arith.constant 0 : i32
    %dma_wait3A_144 = arith.constant 0 : i32
    %dma_wait3A_145 = tpu.memref_slice %arg11[%dma_wait3A_142, %dma_wait3A_143, %dma_wait3A_144] : memref<3x128x128xf32, #tpu.memory_space<vmem>> -> memref<1x128x128xf32, #tpu.memory_space<vmem>>
    %dma_wait3A_146 = tpu.memref_squeeze %dma_wait3A_145 : memref<1x128x128xf32, #tpu.memory_space<vmem>> -> memref<128x128xf32, #tpu.memory_space<vmem>>
    %dma_wait3A_147 = arith.constant 0 : i32
    %dma_wait3A_148 = tpu.memref_slice %arg9[%dma_wait3A_141, %dma_wait3A_147] : memref<4x128xi32, #tpu.memory_space<vmem>> -> memref<1x128xi32, #tpu.memory_space<vmem>>
    %dma_wait3A_149 = tpu.memref_squeeze %dma_wait3A_148 : memref<1x128xi32, #tpu.memory_space<vmem>> -> memref<128xi32, #tpu.memory_space<vmem>>
    %dma_wait3A_150 = arith.constant 0 : i32
    %dma_wait3A_151 = arith.constant 0 : i32
    %dma_wait3A_152 = tpu.memref_slice %arg5[%dma_wait3A_150, %dma_wait3A_151] : memref<1000000x128xf32, #tpu.memory_space<hbm>> -> memref<1000000x128xf32, #tpu.memory_space<hbm>>
    tpu.wait_indirect_dma semaphore(%arg12 : memref<!tpu.dma_semaphore, #tpu.memory_space<semaphore_mem>>) src(%dma_wait3A_152 : memref<1000000x128xf32, #tpu.memory_space<hbm>>) dst(%dma_wait3A_146 : memref<128x128xf32, #tpu.memory_space<vmem>>)
    %add3A_153 = arith.constant 128 : i32
    %add3A_154 = arith.addi %mul3A_2, %add3A_153 : i32
    %dma_start3A_155 = arith.constant 1 : i32
    %dma_start3A_156 = arith.constant 0 : i32
    %dma_start3A_157 = arith.constant 0 : i32
    %dma_start3A_158 = tpu.memref_slice %arg10[%dma_start3A_155, %dma_start3A_156, %dma_start3A_157] : memref<3x128x128xf32, #tpu.memory_space<vmem>> -> memref<1x128x128xf32, #tpu.memory_space<vmem>>
    %dma_start3A_159 = tpu.memref_squeeze %dma_start3A_158 : memref<1x128x128xf32, #tpu.memory_space<vmem>> -> memref<128x128xf32, #tpu.memory_space<vmem>>
    %dma_start3A_160 = arith.constant 0 : i32
    %dma_start3A_161 = tpu.memref_slice %arg6[%add3A_154, %dma_start3A_160] : memref<16384x128xf32, #tpu.memory_space<hbm>> -> memref<128x128xf32, #tpu.memory_space<hbm>>
    %dma_start3A_162 = arith.constant 0 : i32
    %dma_start3A_163 = tpu.memref_slice %arg6[%add3A_154, %dma_start3A_162] : memref<16384x128xf32, #tpu.memory_space<hbm>> -> memref<128x128xf32, #tpu.memory_space<hbm>>
    %dma_start3A_164 = arith.constant 0 : i32
    %dma_start3A_165 = arith.constant 0 : i32
    %dma_start3A_166 = tpu.memref_slice %arg10[%dma_start3A_155, %dma_start3A_164, %dma_start3A_165] : memref<3x128x128xf32, #tpu.memory_space<vmem>> -> memref<1x128x128xf32, #tpu.memory_space<vmem>>
    %dma_start3A_167 = tpu.memref_squeeze %dma_start3A_166 : memref<1x128x128xf32, #tpu.memory_space<vmem>> -> memref<128x128xf32, #tpu.memory_space<vmem>>
    tpu.enqueue_dma source(%dma_start3A_167 : memref<128x128xf32, #tpu.memory_space<vmem>>) target(%dma_start3A_163 : memref<128x128xf32, #tpu.memory_space<hbm>>) target_semaphore(%arg13 : memref<!tpu.dma_semaphore, #tpu.memory_space<semaphore_mem>>)
    %dma_start3A_168 = arith.constant 1 : i32
    %dma_start3A_169 = arith.constant 0 : i32
    %dma_start3A_170 = arith.constant 0 : i32
    %dma_start3A_171 = tpu.memref_slice %arg11[%dma_start3A_168, %dma_start3A_169, %dma_start3A_170] : memref<3x128x128xf32, #tpu.memory_space<vmem>> -> memref<1x128x128xf32, #tpu.memory_space<vmem>>
    %dma_start3A_172 = tpu.memref_squeeze %dma_start3A_171 : memref<1x128x128xf32, #tpu.memory_space<vmem>> -> memref<128x128xf32, #tpu.memory_space<vmem>>
    %dma_start3A_173 = arith.constant 0 : i32
    %dma_start3A_174 = tpu.memref_slice %arg7[%add3A_154, %dma_start3A_173] : memref<16384x128xf32, #tpu.memory_space<hbm>> -> memref<128x128xf32, #tpu.memory_space<hbm>>
    %dma_start3A_175 = arith.constant 0 : i32
    %dma_start3A_176 = tpu.memref_slice %arg7[%add3A_154, %dma_start3A_175] : memref<16384x128xf32, #tpu.memory_space<hbm>> -> memref<128x128xf32, #tpu.memory_space<hbm>>
    %dma_start3A_177 = arith.constant 0 : i32
    %dma_start3A_178 = arith.constant 0 : i32
    %dma_start3A_179 = tpu.memref_slice %arg11[%dma_start3A_168, %dma_start3A_177, %dma_start3A_178] : memref<3x128x128xf32, #tpu.memory_space<vmem>> -> memref<1x128x128xf32, #tpu.memory_space<vmem>>
    %dma_start3A_180 = tpu.memref_squeeze %dma_start3A_179 : memref<1x128x128xf32, #tpu.memory_space<vmem>> -> memref<128x128xf32, #tpu.memory_space<vmem>>
    tpu.enqueue_dma source(%dma_start3A_180 : memref<128x128xf32, #tpu.memory_space<vmem>>) target(%dma_start3A_176 : memref<128x128xf32, #tpu.memory_space<hbm>>) target_semaphore(%arg13 : memref<!tpu.dma_semaphore, #tpu.memory_space<semaphore_mem>>)
    %dma_wait3A_181 = arith.constant 0 : i32
    %dma_wait3A_182 = arith.constant 0 : i32
    %dma_wait3A_183 = arith.constant 0 : i32
    %dma_wait3A_184 = tpu.memref_slice %arg10[%dma_wait3A_181, %dma_wait3A_182, %dma_wait3A_183] : memref<3x128x128xf32, #tpu.memory_space<vmem>> -> memref<1x128x128xf32, #tpu.memory_space<vmem>>
    %dma_wait3A_185 = tpu.memref_squeeze %dma_wait3A_184 : memref<1x128x128xf32, #tpu.memory_space<vmem>> -> memref<128x128xf32, #tpu.memory_space<vmem>>
    %dma_wait3A_186 = arith.constant 0 : i32
    %dma_wait3A_187 = tpu.memref_slice %arg6[%add3A_78, %dma_wait3A_186] : memref<16384x128xf32, #tpu.memory_space<hbm>> -> memref<128x128xf32, #tpu.memory_space<hbm>>
    %dma_wait3A_188 = arith.constant 0 : i32
    %dma_wait3A_189 = tpu.memref_slice %arg6[%add3A_78, %dma_wait3A_188] : memref<16384x128xf32, #tpu.memory_space<hbm>> -> memref<128x128xf32, #tpu.memory_space<hbm>>
    %dma_wait3A_190 = arith.constant 0 : i32
    %dma_wait3A_191 = arith.constant 0 : i32
    %dma_wait3A_192 = tpu.memref_slice %arg10[%dma_wait3A_181, %dma_wait3A_190, %dma_wait3A_191] : memref<3x128x128xf32, #tpu.memory_space<vmem>> -> memref<1x128x128xf32, #tpu.memory_space<vmem>>
    %dma_wait3A_193 = tpu.memref_squeeze %dma_wait3A_192 : memref<1x128x128xf32, #tpu.memory_space<vmem>> -> memref<128x128xf32, #tpu.memory_space<vmem>>
    tpu.wait_dma2 semaphore(%arg13 : memref<!tpu.dma_semaphore, #tpu.memory_space<semaphore_mem>>) src(%dma_wait3A_193 : memref<128x128xf32, #tpu.memory_space<vmem>>) dst(%dma_wait3A_189 : memref<128x128xf32, #tpu.memory_space<hbm>>)
    %dma_wait3A_194 = arith.constant 0 : i32
    %dma_wait3A_195 = arith.constant 0 : i32
    %dma_wait3A_196 = arith.constant 0 : i32
    %dma_wait3A_197 = tpu.memref_slice %arg11[%dma_wait3A_194, %dma_wait3A_195, %dma_wait3A_196] : memref<3x128x128xf32, #tpu.memory_space<vmem>> -> memref<1x128x128xf32, #tpu.memory_space<vmem>>
    %dma_wait3A_198 = tpu.memref_squeeze %dma_wait3A_197 : memref<1x128x128xf32, #tpu.memory_space<vmem>> -> memref<128x128xf32, #tpu.memory_space<vmem>>
    %dma_wait3A_199 = arith.constant 0 : i32
    %dma_wait3A_200 = tpu.memref_slice %arg7[%add3A_78, %dma_wait3A_199] : memref<16384x128xf32, #tpu.memory_space<hbm>> -> memref<128x128xf32, #tpu.memory_space<hbm>>
    %dma_wait3A_201 = arith.constant 0 : i32
    %dma_wait3A_202 = tpu.memref_slice %arg7[%add3A_78, %dma_wait3A_201] : memref<16384x128xf32, #tpu.memory_space<hbm>> -> memref<128x128xf32, #tpu.memory_space<hbm>>
    %dma_wait3A_203 = arith.constant 0 : i32
    %dma_wait3A_204 = arith.constant 0 : i32
    %dma_wait3A_205 = tpu.memref_slice %arg11[%dma_wait3A_194, %dma_wait3A_203, %dma_wait3A_204] : memref<3x128x128xf32, #tpu.memory_space<vmem>> -> memref<1x128x128xf32, #tpu.memory_space<vmem>>
    %dma_wait3A_206 = tpu.memref_squeeze %dma_wait3A_205 : memref<1x128x128xf32, #tpu.memory_space<vmem>> -> memref<128x128xf32, #tpu.memory_space<vmem>>
    tpu.wait_dma2 semaphore(%arg13 : memref<!tpu.dma_semaphore, #tpu.memory_space<semaphore_mem>>) src(%dma_wait3A_206 : memref<128x128xf32, #tpu.memory_space<vmem>>) dst(%dma_wait3A_202 : memref<128x128xf32, #tpu.memory_space<hbm>>)
    %dma_start3A_207 = arith.constant 3 : i32
    %dma_start3A_208 = arith.constant 0 : i32
    %dma_start3A_209 = arith.constant 0 : i32
    %dma_start3A_210 = arith.constant 0 : i32
    %dma_start3A_211 = tpu.memref_slice %arg10[%dma_start3A_208, %dma_start3A_209, %dma_start3A_210] : memref<3x128x128xf32, #tpu.memory_space<vmem>> -> memref<1x128x128xf32, #tpu.memory_space<vmem>>
    %dma_start3A_212 = tpu.memref_squeeze %dma_start3A_211 : memref<1x128x128xf32, #tpu.memory_space<vmem>> -> memref<128x128xf32, #tpu.memory_space<vmem>>
    %dma_start3A_213 = arith.constant 0 : i32
    %dma_start3A_214 = tpu.memref_slice %arg8[%dma_start3A_207, %dma_start3A_213] : memref<4x128xi32, #tpu.memory_space<vmem>> -> memref<1x128xi32, #tpu.memory_space<vmem>>
    %dma_start3A_215 = tpu.memref_squeeze %dma_start3A_214 : memref<1x128xi32, #tpu.memory_space<vmem>> -> memref<128xi32, #tpu.memory_space<vmem>>
    %dma_start3A_216 = arith.constant 0 : i32
    %dma_start3A_217 = arith.constant 0 : i32
    %dma_start3A_218 = tpu.memref_slice %arg4[%dma_start3A_216, %dma_start3A_217] : memref<1000000x128xf32, #tpu.memory_space<hbm>> -> memref<1000000x128xf32, #tpu.memory_space<hbm>>
    tpu.enqueue_indirect_dma source(%dma_start3A_218 : memref<1000000x128xf32, #tpu.memory_space<hbm>>) target(%dma_start3A_212 : memref<128x128xf32, #tpu.memory_space<vmem>>) offsets(%dma_start3A_215 : memref<128xi32, #tpu.memory_space<vmem>>) semaphore(%arg12 : memref<!tpu.dma_semaphore, #tpu.memory_space<semaphore_mem>>)
    %dma_start3A_219 = arith.constant 3 : i32
    %dma_start3A_220 = arith.constant 0 : i32
    %dma_start3A_221 = arith.constant 0 : i32
    %dma_start3A_222 = arith.constant 0 : i32
    %dma_start3A_223 = tpu.memref_slice %arg11[%dma_start3A_220, %dma_start3A_221, %dma_start3A_222] : memref<3x128x128xf32, #tpu.memory_space<vmem>> -> memref<1x128x128xf32, #tpu.memory_space<vmem>>
    %dma_start3A_224 = tpu.memref_squeeze %dma_start3A_223 : memref<1x128x128xf32, #tpu.memory_space<vmem>> -> memref<128x128xf32, #tpu.memory_space<vmem>>
    %dma_start3A_225 = arith.constant 0 : i32
    %dma_start3A_226 = tpu.memref_slice %arg9[%dma_start3A_219, %dma_start3A_225] : memref<4x128xi32, #tpu.memory_space<vmem>> -> memref<1x128xi32, #tpu.memory_space<vmem>>
    %dma_start3A_227 = tpu.memref_squeeze %dma_start3A_226 : memref<1x128xi32, #tpu.memory_space<vmem>> -> memref<128xi32, #tpu.memory_space<vmem>>
    %dma_start3A_228 = arith.constant 0 : i32
    %dma_start3A_229 = arith.constant 0 : i32
    %dma_start3A_230 = tpu.memref_slice %arg5[%dma_start3A_228, %dma_start3A_229] : memref<1000000x128xf32, #tpu.memory_space<hbm>> -> memref<1000000x128xf32, #tpu.memory_space<hbm>>
    tpu.enqueue_indirect_dma source(%dma_start3A_230 : memref<1000000x128xf32, #tpu.memory_space<hbm>>) target(%dma_start3A_224 : memref<128x128xf32, #tpu.memory_space<vmem>>) offsets(%dma_start3A_227 : memref<128xi32, #tpu.memory_space<vmem>>) semaphore(%arg12 : memref<!tpu.dma_semaphore, #tpu.memory_space<semaphore_mem>>)
    %dma_wait3A_231 = arith.constant 2 : i32
    %dma_wait3A_232 = arith.constant 2 : i32
    %dma_wait3A_233 = arith.constant 0 : i32
    %dma_wait3A_234 = arith.constant 0 : i32
    %dma_wait3A_235 = tpu.memref_slice %arg10[%dma_wait3A_232, %dma_wait3A_233, %dma_wait3A_234] : memref<3x128x128xf32, #tpu.memory_space<vmem>> -> memref<1x128x128xf32, #tpu.memory_space<vmem>>
    %dma_wait3A_236 = tpu.memref_squeeze %dma_wait3A_235 : memref<1x128x128xf32, #tpu.memory_space<vmem>> -> memref<128x128xf32, #tpu.memory_space<vmem>>
    %dma_wait3A_237 = arith.constant 0 : i32
    %dma_wait3A_238 = tpu.memref_slice %arg8[%dma_wait3A_231, %dma_wait3A_237] : memref<4x128xi32, #tpu.memory_space<vmem>> -> memref<1x128xi32, #tpu.memory_space<vmem>>
    %dma_wait3A_239 = tpu.memref_squeeze %dma_wait3A_238 : memref<1x128xi32, #tpu.memory_space<vmem>> -> memref<128xi32, #tpu.memory_space<vmem>>
    %dma_wait3A_240 = arith.constant 0 : i32
    %dma_wait3A_241 = arith.constant 0 : i32
    %dma_wait3A_242 = tpu.memref_slice %arg4[%dma_wait3A_240, %dma_wait3A_241] : memref<1000000x128xf32, #tpu.memory_space<hbm>> -> memref<1000000x128xf32, #tpu.memory_space<hbm>>
    tpu.wait_indirect_dma semaphore(%arg12 : memref<!tpu.dma_semaphore, #tpu.memory_space<semaphore_mem>>) src(%dma_wait3A_242 : memref<1000000x128xf32, #tpu.memory_space<hbm>>) dst(%dma_wait3A_236 : memref<128x128xf32, #tpu.memory_space<vmem>>)
    %dma_wait3A_243 = arith.constant 2 : i32
    %dma_wait3A_244 = arith.constant 2 : i32
    %dma_wait3A_245 = arith.constant 0 : i32
    %dma_wait3A_246 = arith.constant 0 : i32
    %dma_wait3A_247 = tpu.memref_slice %arg11[%dma_wait3A_244, %dma_wait3A_245, %dma_wait3A_246] : memref<3x128x128xf32, #tpu.memory_space<vmem>> -> memref<1x128x128xf32, #tpu.memory_space<vmem>>
    %dma_wait3A_248 = tpu.memref_squeeze %dma_wait3A_247 : memref<1x128x128xf32, #tpu.memory_space<vmem>> -> memref<128x128xf32, #tpu.memory_space<vmem>>
    %dma_wait3A_249 = arith.constant 0 : i32
    %dma_wait3A_250 = tpu.memref_slice %arg9[%dma_wait3A_243, %dma_wait3A_249] : memref<4x128xi32, #tpu.memory_space<vmem>> -> memref<1x128xi32, #tpu.memory_space<vmem>>
    %dma_wait3A_251 = tpu.memref_squeeze %dma_wait3A_250 : memref<1x128xi32, #tpu.memory_space<vmem>> -> memref<128xi32, #tpu.memory_space<vmem>>
    %dma_wait3A_252 = arith.constant 0 : i32
    %dma_wait3A_253 = arith.constant 0 : i32
    %dma_wait3A_254 = tpu.memref_slice %arg5[%dma_wait3A_252, %dma_wait3A_253] : memref<1000000x128xf32, #tpu.memory_space<hbm>> -> memref<1000000x128xf32, #tpu.memory_space<hbm>>
    tpu.wait_indirect_dma semaphore(%arg12 : memref<!tpu.dma_semaphore, #tpu.memory_space<semaphore_mem>>) src(%dma_wait3A_254 : memref<1000000x128xf32, #tpu.memory_space<hbm>>) dst(%dma_wait3A_248 : memref<128x128xf32, #tpu.memory_space<vmem>>)
    %add3A_255 = arith.constant 256 : i32
    %add3A_256 = arith.addi %mul3A_2, %add3A_255 : i32
    %dma_start3A_257 = arith.constant 2 : i32
    %dma_start3A_258 = arith.constant 0 : i32
    %dma_start3A_259 = arith.constant 0 : i32
    %dma_start3A_260 = tpu.memref_slice %arg10[%dma_start3A_257, %dma_start3A_258, %dma_start3A_259] : memref<3x128x128xf32, #tpu.memory_space<vmem>> -> memref<1x128x128xf32, #tpu.memory_space<vmem>>
    %dma_start3A_261 = tpu.memref_squeeze %dma_start3A_260 : memref<1x128x128xf32, #tpu.memory_space<vmem>> -> memref<128x128xf32, #tpu.memory_space<vmem>>
    %dma_start3A_262 = arith.constant 0 : i32
    %dma_start3A_263 = tpu.memref_slice %arg6[%add3A_256, %dma_start3A_262] : memref<16384x128xf32, #tpu.memory_space<hbm>> -> memref<128x128xf32, #tpu.memory_space<hbm>>
    %dma_start3A_264 = arith.constant 0 : i32
    %dma_start3A_265 = tpu.memref_slice %arg6[%add3A_256, %dma_start3A_264] : memref<16384x128xf32, #tpu.memory_space<hbm>> -> memref<128x128xf32, #tpu.memory_space<hbm>>
    %dma_start3A_266 = arith.constant 0 : i32
    %dma_start3A_267 = arith.constant 0 : i32
    %dma_start3A_268 = tpu.memref_slice %arg10[%dma_start3A_257, %dma_start3A_266, %dma_start3A_267] : memref<3x128x128xf32, #tpu.memory_space<vmem>> -> memref<1x128x128xf32, #tpu.memory_space<vmem>>
    %dma_start3A_269 = tpu.memref_squeeze %dma_start3A_268 : memref<1x128x128xf32, #tpu.memory_space<vmem>> -> memref<128x128xf32, #tpu.memory_space<vmem>>
    tpu.enqueue_dma source(%dma_start3A_269 : memref<128x128xf32, #tpu.memory_space<vmem>>) target(%dma_start3A_265 : memref<128x128xf32, #tpu.memory_space<hbm>>) target_semaphore(%arg13 : memref<!tpu.dma_semaphore, #tpu.memory_space<semaphore_mem>>)
    %dma_start3A_270 = arith.constant 2 : i32
    %dma_start3A_271 = arith.constant 0 : i32
    %dma_start3A_272 = arith.constant 0 : i32
    %dma_start3A_273 = tpu.memref_slice %arg11[%dma_start3A_270, %dma_start3A_271, %dma_start3A_272] : memref<3x128x128xf32, #tpu.memory_space<vmem>> -> memref<1x128x128xf32, #tpu.memory_space<vmem>>
    %dma_start3A_274 = tpu.memref_squeeze %dma_start3A_273 : memref<1x128x128xf32, #tpu.memory_space<vmem>> -> memref<128x128xf32, #tpu.memory_space<vmem>>
    %dma_start3A_275 = arith.constant 0 : i32
    %dma_start3A_276 = tpu.memref_slice %arg7[%add3A_256, %dma_start3A_275] : memref<16384x128xf32, #tpu.memory_space<hbm>> -> memref<128x128xf32, #tpu.memory_space<hbm>>
    %dma_start3A_277 = arith.constant 0 : i32
    %dma_start3A_278 = tpu.memref_slice %arg7[%add3A_256, %dma_start3A_277] : memref<16384x128xf32, #tpu.memory_space<hbm>> -> memref<128x128xf32, #tpu.memory_space<hbm>>
    %dma_start3A_279 = arith.constant 0 : i32
    %dma_start3A_280 = arith.constant 0 : i32
    %dma_start3A_281 = tpu.memref_slice %arg11[%dma_start3A_270, %dma_start3A_279, %dma_start3A_280] : memref<3x128x128xf32, #tpu.memory_space<vmem>> -> memref<1x128x128xf32, #tpu.memory_space<vmem>>
    %dma_start3A_282 = tpu.memref_squeeze %dma_start3A_281 : memref<1x128x128xf32, #tpu.memory_space<vmem>> -> memref<128x128xf32, #tpu.memory_space<vmem>>
    tpu.enqueue_dma source(%dma_start3A_282 : memref<128x128xf32, #tpu.memory_space<vmem>>) target(%dma_start3A_278 : memref<128x128xf32, #tpu.memory_space<hbm>>) target_semaphore(%arg13 : memref<!tpu.dma_semaphore, #tpu.memory_space<semaphore_mem>>)
    %dma_wait3A_283 = arith.constant 3 : i32
    %dma_wait3A_284 = arith.constant 0 : i32
    %dma_wait3A_285 = arith.constant 0 : i32
    %dma_wait3A_286 = arith.constant 0 : i32
    %dma_wait3A_287 = tpu.memref_slice %arg10[%dma_wait3A_284, %dma_wait3A_285, %dma_wait3A_286] : memref<3x128x128xf32, #tpu.memory_space<vmem>> -> memref<1x128x128xf32, #tpu.memory_space<vmem>>
    %dma_wait3A_288 = tpu.memref_squeeze %dma_wait3A_287 : memref<1x128x128xf32, #tpu.memory_space<vmem>> -> memref<128x128xf32, #tpu.memory_space<vmem>>
    %dma_wait3A_289 = arith.constant 0 : i32
    %dma_wait3A_290 = tpu.memref_slice %arg8[%dma_wait3A_283, %dma_wait3A_289] : memref<4x128xi32, #tpu.memory_space<vmem>> -> memref<1x128xi32, #tpu.memory_space<vmem>>
    %dma_wait3A_291 = tpu.memref_squeeze %dma_wait3A_290 : memref<1x128xi32, #tpu.memory_space<vmem>> -> memref<128xi32, #tpu.memory_space<vmem>>
    %dma_wait3A_292 = arith.constant 0 : i32
    %dma_wait3A_293 = arith.constant 0 : i32
    %dma_wait3A_294 = tpu.memref_slice %arg4[%dma_wait3A_292, %dma_wait3A_293] : memref<1000000x128xf32, #tpu.memory_space<hbm>> -> memref<1000000x128xf32, #tpu.memory_space<hbm>>
    tpu.wait_indirect_dma semaphore(%arg12 : memref<!tpu.dma_semaphore, #tpu.memory_space<semaphore_mem>>) src(%dma_wait3A_294 : memref<1000000x128xf32, #tpu.memory_space<hbm>>) dst(%dma_wait3A_288 : memref<128x128xf32, #tpu.memory_space<vmem>>)
    %dma_wait3A_295 = arith.constant 3 : i32
    %dma_wait3A_296 = arith.constant 0 : i32
    %dma_wait3A_297 = arith.constant 0 : i32
    %dma_wait3A_298 = arith.constant 0 : i32
    %dma_wait3A_299 = tpu.memref_slice %arg11[%dma_wait3A_296, %dma_wait3A_297, %dma_wait3A_298] : memref<3x128x128xf32, #tpu.memory_space<vmem>> -> memref<1x128x128xf32, #tpu.memory_space<vmem>>
    %dma_wait3A_300 = tpu.memref_squeeze %dma_wait3A_299 : memref<1x128x128xf32, #tpu.memory_space<vmem>> -> memref<128x128xf32, #tpu.memory_space<vmem>>
    %dma_wait3A_301 = arith.constant 0 : i32
    %dma_wait3A_302 = tpu.memref_slice %arg9[%dma_wait3A_295, %dma_wait3A_301] : memref<4x128xi32, #tpu.memory_space<vmem>> -> memref<1x128xi32, #tpu.memory_space<vmem>>
    %dma_wait3A_303 = tpu.memref_squeeze %dma_wait3A_302 : memref<1x128xi32, #tpu.memory_space<vmem>> -> memref<128xi32, #tpu.memory_space<vmem>>
    %dma_wait3A_304 = arith.constant 0 : i32
    %dma_wait3A_305 = arith.constant 0 : i32
    %dma_wait3A_306 = tpu.memref_slice %arg5[%dma_wait3A_304, %dma_wait3A_305] : memref<1000000x128xf32, #tpu.memory_space<hbm>> -> memref<1000000x128xf32, #tpu.memory_space<hbm>>
    tpu.wait_indirect_dma semaphore(%arg12 : memref<!tpu.dma_semaphore, #tpu.memory_space<semaphore_mem>>) src(%dma_wait3A_306 : memref<1000000x128xf32, #tpu.memory_space<hbm>>) dst(%dma_wait3A_300 : memref<128x128xf32, #tpu.memory_space<vmem>>)
    %add3A_307 = arith.constant 384 : i32
    %add3A_308 = arith.addi %mul3A_2, %add3A_307 : i32
    %dma_start3A_309 = arith.constant 0 : i32
    %dma_start3A_310 = arith.constant 0 : i32
    %dma_start3A_311 = arith.constant 0 : i32
    %dma_start3A_312 = tpu.memref_slice %arg10[%dma_start3A_309, %dma_start3A_310, %dma_start3A_311] : memref<3x128x128xf32, #tpu.memory_space<vmem>> -> memref<1x128x128xf32, #tpu.memory_space<vmem>>
    %dma_start3A_313 = tpu.memref_squeeze %dma_start3A_312 : memref<1x128x128xf32, #tpu.memory_space<vmem>> -> memref<128x128xf32, #tpu.memory_space<vmem>>
    %dma_start3A_314 = arith.constant 0 : i32
    %dma_start3A_315 = tpu.memref_slice %arg6[%add3A_308, %dma_start3A_314] : memref<16384x128xf32, #tpu.memory_space<hbm>> -> memref<128x128xf32, #tpu.memory_space<hbm>>
    %dma_start3A_316 = arith.constant 0 : i32
    %dma_start3A_317 = tpu.memref_slice %arg6[%add3A_308, %dma_start3A_316] : memref<16384x128xf32, #tpu.memory_space<hbm>> -> memref<128x128xf32, #tpu.memory_space<hbm>>
    %dma_start3A_318 = arith.constant 0 : i32
    %dma_start3A_319 = arith.constant 0 : i32
    %dma_start3A_320 = tpu.memref_slice %arg10[%dma_start3A_309, %dma_start3A_318, %dma_start3A_319] : memref<3x128x128xf32, #tpu.memory_space<vmem>> -> memref<1x128x128xf32, #tpu.memory_space<vmem>>
    %dma_start3A_321 = tpu.memref_squeeze %dma_start3A_320 : memref<1x128x128xf32, #tpu.memory_space<vmem>> -> memref<128x128xf32, #tpu.memory_space<vmem>>
    tpu.enqueue_dma source(%dma_start3A_321 : memref<128x128xf32, #tpu.memory_space<vmem>>) target(%dma_start3A_317 : memref<128x128xf32, #tpu.memory_space<hbm>>) target_semaphore(%arg13 : memref<!tpu.dma_semaphore, #tpu.memory_space<semaphore_mem>>)
    %dma_start3A_322 = arith.constant 0 : i32
    %dma_start3A_323 = arith.constant 0 : i32
    %dma_start3A_324 = arith.constant 0 : i32
    %dma_start3A_325 = tpu.memref_slice %arg11[%dma_start3A_322, %dma_start3A_323, %dma_start3A_324] : memref<3x128x128xf32, #tpu.memory_space<vmem>> -> memref<1x128x128xf32, #tpu.memory_space<vmem>>
    %dma_start3A_326 = tpu.memref_squeeze %dma_start3A_325 : memref<1x128x128xf32, #tpu.memory_space<vmem>> -> memref<128x128xf32, #tpu.memory_space<vmem>>
    %dma_start3A_327 = arith.constant 0 : i32
    %dma_start3A_328 = tpu.memref_slice %arg7[%add3A_308, %dma_start3A_327] : memref<16384x128xf32, #tpu.memory_space<hbm>> -> memref<128x128xf32, #tpu.memory_space<hbm>>
    %dma_start3A_329 = arith.constant 0 : i32
    %dma_start3A_330 = tpu.memref_slice %arg7[%add3A_308, %dma_start3A_329] : memref<16384x128xf32, #tpu.memory_space<hbm>> -> memref<128x128xf32, #tpu.memory_space<hbm>>
    %dma_start3A_331 = arith.constant 0 : i32
    %dma_start3A_332 = arith.constant 0 : i32
    %dma_start3A_333 = tpu.memref_slice %arg11[%dma_start3A_322, %dma_start3A_331, %dma_start3A_332] : memref<3x128x128xf32, #tpu.memory_space<vmem>> -> memref<1x128x128xf32, #tpu.memory_space<vmem>>
    %dma_start3A_334 = tpu.memref_squeeze %dma_start3A_333 : memref<1x128x128xf32, #tpu.memory_space<vmem>> -> memref<128x128xf32, #tpu.memory_space<vmem>>
    tpu.enqueue_dma source(%dma_start3A_334 : memref<128x128xf32, #tpu.memory_space<vmem>>) target(%dma_start3A_330 : memref<128x128xf32, #tpu.memory_space<hbm>>) target_semaphore(%arg13 : memref<!tpu.dma_semaphore, #tpu.memory_space<semaphore_mem>>)
    %dma_wait3A_335 = arith.constant 1 : i32
    %dma_wait3A_336 = arith.constant 0 : i32
    %dma_wait3A_337 = arith.constant 0 : i32
    %dma_wait3A_338 = tpu.memref_slice %arg10[%dma_wait3A_335, %dma_wait3A_336, %dma_wait3A_337] : memref<3x128x128xf32, #tpu.memory_space<vmem>> -> memref<1x128x128xf32, #tpu.memory_space<vmem>>
    %dma_wait3A_339 = tpu.memref_squeeze %dma_wait3A_338 : memref<1x128x128xf32, #tpu.memory_space<vmem>> -> memref<128x128xf32, #tpu.memory_space<vmem>>
    %dma_wait3A_340 = arith.constant 0 : i32
    %dma_wait3A_341 = tpu.memref_slice %arg6[%add3A_154, %dma_wait3A_340] : memref<16384x128xf32, #tpu.memory_space<hbm>> -> memref<128x128xf32, #tpu.memory_space<hbm>>
    %dma_wait3A_342 = arith.constant 0 : i32
    %dma_wait3A_343 = tpu.memref_slice %arg6[%add3A_154, %dma_wait3A_342] : memref<16384x128xf32, #tpu.memory_space<hbm>> -> memref<128x128xf32, #tpu.memory_space<hbm>>
    %dma_wait3A_344 = arith.constant 0 : i32
    %dma_wait3A_345 = arith.constant 0 : i32
    %dma_wait3A_346 = tpu.memref_slice %arg10[%dma_wait3A_335, %dma_wait3A_344, %dma_wait3A_345] : memref<3x128x128xf32, #tpu.memory_space<vmem>> -> memref<1x128x128xf32, #tpu.memory_space<vmem>>
    %dma_wait3A_347 = tpu.memref_squeeze %dma_wait3A_346 : memref<1x128x128xf32, #tpu.memory_space<vmem>> -> memref<128x128xf32, #tpu.memory_space<vmem>>
    tpu.wait_dma2 semaphore(%arg13 : memref<!tpu.dma_semaphore, #tpu.memory_space<semaphore_mem>>) src(%dma_wait3A_347 : memref<128x128xf32, #tpu.memory_space<vmem>>) dst(%dma_wait3A_343 : memref<128x128xf32, #tpu.memory_space<hbm>>)
    %dma_wait3A_348 = arith.constant 1 : i32
    %dma_wait3A_349 = arith.constant 0 : i32
    %dma_wait3A_350 = arith.constant 0 : i32
    %dma_wait3A_351 = tpu.memref_slice %arg11[%dma_wait3A_348, %dma_wait3A_349, %dma_wait3A_350] : memref<3x128x128xf32, #tpu.memory_space<vmem>> -> memref<1x128x128xf32, #tpu.memory_space<vmem>>
    %dma_wait3A_352 = tpu.memref_squeeze %dma_wait3A_351 : memref<1x128x128xf32, #tpu.memory_space<vmem>> -> memref<128x128xf32, #tpu.memory_space<vmem>>
    %dma_wait3A_353 = arith.constant 0 : i32
    %dma_wait3A_354 = tpu.memref_slice %arg7[%add3A_154, %dma_wait3A_353] : memref<16384x128xf32, #tpu.memory_space<hbm>> -> memref<128x128xf32, #tpu.memory_space<hbm>>
    %dma_wait3A_355 = arith.constant 0 : i32
    %dma_wait3A_356 = tpu.memref_slice %arg7[%add3A_154, %dma_wait3A_355] : memref<16384x128xf32, #tpu.memory_space<hbm>> -> memref<128x128xf32, #tpu.memory_space<hbm>>
    %dma_wait3A_357 = arith.constant 0 : i32
    %dma_wait3A_358 = arith.constant 0 : i32
    %dma_wait3A_359 = tpu.memref_slice %arg11[%dma_wait3A_348, %dma_wait3A_357, %dma_wait3A_358] : memref<3x128x128xf32, #tpu.memory_space<vmem>> -> memref<1x128x128xf32, #tpu.memory_space<vmem>>
    %dma_wait3A_360 = tpu.memref_squeeze %dma_wait3A_359 : memref<1x128x128xf32, #tpu.memory_space<vmem>> -> memref<128x128xf32, #tpu.memory_space<vmem>>
    tpu.wait_dma2 semaphore(%arg13 : memref<!tpu.dma_semaphore, #tpu.memory_space<semaphore_mem>>) src(%dma_wait3A_360 : memref<128x128xf32, #tpu.memory_space<vmem>>) dst(%dma_wait3A_356 : memref<128x128xf32, #tpu.memory_space<hbm>>)
    %dma_wait3A_361 = arith.constant 2 : i32
    %dma_wait3A_362 = arith.constant 0 : i32
    %dma_wait3A_363 = arith.constant 0 : i32
    %dma_wait3A_364 = tpu.memref_slice %arg10[%dma_wait3A_361, %dma_wait3A_362, %dma_wait3A_363] : memref<3x128x128xf32, #tpu.memory_space<vmem>> -> memref<1x128x128xf32, #tpu.memory_space<vmem>>
    %dma_wait3A_365 = tpu.memref_squeeze %dma_wait3A_364 : memref<1x128x128xf32, #tpu.memory_space<vmem>> -> memref<128x128xf32, #tpu.memory_space<vmem>>
    %dma_wait3A_366 = arith.constant 0 : i32
    %dma_wait3A_367 = tpu.memref_slice %arg6[%add3A_256, %dma_wait3A_366] : memref<16384x128xf32, #tpu.memory_space<hbm>> -> memref<128x128xf32, #tpu.memory_space<hbm>>
    %dma_wait3A_368 = arith.constant 0 : i32
    %dma_wait3A_369 = tpu.memref_slice %arg6[%add3A_256, %dma_wait3A_368] : memref<16384x128xf32, #tpu.memory_space<hbm>> -> memref<128x128xf32, #tpu.memory_space<hbm>>
    %dma_wait3A_370 = arith.constant 0 : i32
    %dma_wait3A_371 = arith.constant 0 : i32
    %dma_wait3A_372 = tpu.memref_slice %arg10[%dma_wait3A_361, %dma_wait3A_370, %dma_wait3A_371] : memref<3x128x128xf32, #tpu.memory_space<vmem>> -> memref<1x128x128xf32, #tpu.memory_space<vmem>>
    %dma_wait3A_373 = tpu.memref_squeeze %dma_wait3A_372 : memref<1x128x128xf32, #tpu.memory_space<vmem>> -> memref<128x128xf32, #tpu.memory_space<vmem>>
    tpu.wait_dma2 semaphore(%arg13 : memref<!tpu.dma_semaphore, #tpu.memory_space<semaphore_mem>>) src(%dma_wait3A_373 : memref<128x128xf32, #tpu.memory_space<vmem>>) dst(%dma_wait3A_369 : memref<128x128xf32, #tpu.memory_space<hbm>>)
    %dma_wait3A_374 = arith.constant 2 : i32
    %dma_wait3A_375 = arith.constant 0 : i32
    %dma_wait3A_376 = arith.constant 0 : i32
    %dma_wait3A_377 = tpu.memref_slice %arg11[%dma_wait3A_374, %dma_wait3A_375, %dma_wait3A_376] : memref<3x128x128xf32, #tpu.memory_space<vmem>> -> memref<1x128x128xf32, #tpu.memory_space<vmem>>
    %dma_wait3A_378 = tpu.memref_squeeze %dma_wait3A_377 : memref<1x128x128xf32, #tpu.memory_space<vmem>> -> memref<128x128xf32, #tpu.memory_space<vmem>>
    %dma_wait3A_379 = arith.constant 0 : i32
    %dma_wait3A_380 = tpu.memref_slice %arg7[%add3A_256, %dma_wait3A_379] : memref<16384x128xf32, #tpu.memory_space<hbm>> -> memref<128x128xf32, #tpu.memory_space<hbm>>
    %dma_wait3A_381 = arith.constant 0 : i32
    %dma_wait3A_382 = tpu.memref_slice %arg7[%add3A_256, %dma_wait3A_381] : memref<16384x128xf32, #tpu.memory_space<hbm>> -> memref<128x128xf32, #tpu.memory_space<hbm>>
    %dma_wait3A_383 = arith.constant 0 : i32
    %dma_wait3A_384 = arith.constant 0 : i32
    %dma_wait3A_385 = tpu.memref_slice %arg11[%dma_wait3A_374, %dma_wait3A_383, %dma_wait3A_384] : memref<3x128x128xf32, #tpu.memory_space<vmem>> -> memref<1x128x128xf32, #tpu.memory_space<vmem>>
    %dma_wait3A_386 = tpu.memref_squeeze %dma_wait3A_385 : memref<1x128x128xf32, #tpu.memory_space<vmem>> -> memref<128x128xf32, #tpu.memory_space<vmem>>
    tpu.wait_dma2 semaphore(%arg13 : memref<!tpu.dma_semaphore, #tpu.memory_space<semaphore_mem>>) src(%dma_wait3A_386 : memref<128x128xf32, #tpu.memory_space<vmem>>) dst(%dma_wait3A_382 : memref<128x128xf32, #tpu.memory_space<hbm>>)
    %dma_wait3A_387 = arith.constant 0 : i32
    %dma_wait3A_388 = arith.constant 0 : i32
    %dma_wait3A_389 = arith.constant 0 : i32
    %dma_wait3A_390 = tpu.memref_slice %arg10[%dma_wait3A_387, %dma_wait3A_388, %dma_wait3A_389] : memref<3x128x128xf32, #tpu.memory_space<vmem>> -> memref<1x128x128xf32, #tpu.memory_space<vmem>>
    %dma_wait3A_391 = tpu.memref_squeeze %dma_wait3A_390 : memref<1x128x128xf32, #tpu.memory_space<vmem>> -> memref<128x128xf32, #tpu.memory_space<vmem>>
    %dma_wait3A_392 = arith.constant 0 : i32
    %dma_wait3A_393 = tpu.memref_slice %arg6[%add3A_308, %dma_wait3A_392] : memref<16384x128xf32, #tpu.memory_space<hbm>> -> memref<128x128xf32, #tpu.memory_space<hbm>>
    %dma_wait3A_394 = arith.constant 0 : i32
    %dma_wait3A_395 = tpu.memref_slice %arg6[%add3A_308, %dma_wait3A_394] : memref<16384x128xf32, #tpu.memory_space<hbm>> -> memref<128x128xf32, #tpu.memory_space<hbm>>
    %dma_wait3A_396 = arith.constant 0 : i32
    %dma_wait3A_397 = arith.constant 0 : i32
    %dma_wait3A_398 = tpu.memref_slice %arg10[%dma_wait3A_387, %dma_wait3A_396, %dma_wait3A_397] : memref<3x128x128xf32, #tpu.memory_space<vmem>> -> memref<1x128x128xf32, #tpu.memory_space<vmem>>
    %dma_wait3A_399 = tpu.memref_squeeze %dma_wait3A_398 : memref<1x128x128xf32, #tpu.memory_space<vmem>> -> memref<128x128xf32, #tpu.memory_space<vmem>>
    tpu.wait_dma2 semaphore(%arg13 : memref<!tpu.dma_semaphore, #tpu.memory_space<semaphore_mem>>) src(%dma_wait3A_399 : memref<128x128xf32, #tpu.memory_space<vmem>>) dst(%dma_wait3A_395 : memref<128x128xf32, #tpu.memory_space<hbm>>)
    %dma_wait3A_400 = arith.constant 0 : i32
    %dma_wait3A_401 = arith.constant 0 : i32
    %dma_wait3A_402 = arith.constant 0 : i32
    %dma_wait3A_403 = tpu.memref_slice %arg11[%dma_wait3A_400, %dma_wait3A_401, %dma_wait3A_402] : memref<3x128x128xf32, #tpu.memory_space<vmem>> -> memref<1x128x128xf32, #tpu.memory_space<vmem>>
    %dma_wait3A_404 = tpu.memref_squeeze %dma_wait3A_403 : memref<1x128x128xf32, #tpu.memory_space<vmem>> -> memref<128x128xf32, #tpu.memory_space<vmem>>
    %dma_wait3A_405 = arith.constant 0 : i32
    %dma_wait3A_406 = tpu.memref_slice %arg7[%add3A_308, %dma_wait3A_405] : memref<16384x128xf32, #tpu.memory_space<hbm>> -> memref<128x128xf32, #tpu.memory_space<hbm>>
    %dma_wait3A_407 = arith.constant 0 : i32
    %dma_wait3A_408 = tpu.memref_slice %arg7[%add3A_308, %dma_wait3A_407] : memref<16384x128xf32, #tpu.memory_space<hbm>> -> memref<128x128xf32, #tpu.memory_space<hbm>>
    %dma_wait3A_409 = arith.constant 0 : i32
    %dma_wait3A_410 = arith.constant 0 : i32
    %dma_wait3A_411 = tpu.memref_slice %arg11[%dma_wait3A_400, %dma_wait3A_409, %dma_wait3A_410] : memref<3x128x128xf32, #tpu.memory_space<vmem>> -> memref<1x128x128xf32, #tpu.memory_space<vmem>>
    %dma_wait3A_412 = tpu.memref_squeeze %dma_wait3A_411 : memref<1x128x128xf32, #tpu.memory_space<vmem>> -> memref<128x128xf32, #tpu.memory_space<vmem>>
    tpu.wait_dma2 semaphore(%arg13 : memref<!tpu.dma_semaphore, #tpu.memory_space<semaphore_mem>>) src(%dma_wait3A_412 : memref<128x128xf32, #tpu.memory_space<vmem>>) dst(%dma_wait3A_408 : memref<128x128xf32, #tpu.memory_space<hbm>>)
    return
  }
}

module attributes {stable_mosaic.version = 14 : i64} {
  func.func @body(%arg0: i32, %arg1: memref<32x8192xf32, #tpu.memory_space<vmem>>, %arg2: memref<32x8192xf32, #tpu.memory_space<vmem>>, %arg3: memref<64x128xf32, #tpu.memory_space<vmem>>, %arg4: memref<1x32xf32, #tpu.memory_space<vmem>>, %arg5: memref<64x128xf32, #tpu.memory_space<vmem>>) attributes {dimension_semantics = [#tpu.dimension_semantics<arbitrary>], iteration_bounds = array<i64: 2>, scalar_prefetch = 0 : i64, scratch_operands = 0 : i64, tpu.core_type = #tpu.core_type<tc>, window_params = [{transform_indices = @transform_0, window_bounds = array<i64: 32, 8192>}, {transform_indices = @transform_1, window_bounds = array<i64: 32, 8192>}, {transform_indices = @transform_2, window_bounds = array<i64: 64, 128>}, {pipeline_mode = #tpu.pipeline_mode<synchronous>, transform_indices = @transform_3, window_bounds = array<i64: 1, 32>}, {transform_indices = @transform_4, window_bounds = array<i64: 64, 128>}]} {
    %get3A = arith.constant 0 : index
    %get3A_0 = arith.constant 0 : index
    %get3A_1 = vector.load %arg1[%get3A, %get3A_0] : memref<32x8192xf32, #tpu.memory_space<vmem>>, vector<32x8192xf32>
    %get3A_2 = arith.constant 0 : index
    %get3A_3 = arith.constant 0 : index
    %get3A_4 = vector.load %arg2[%get3A_2, %get3A_3] : memref<32x8192xf32, #tpu.memory_space<vmem>>, vector<32x8192xf32>
    %mul3A = arith.mulf %get3A_1, %get3A_4 : vector<32x8192xf32>
    %get3A_5 = arith.constant 0 : index
    %get3A_6 = arith.constant 0 : index
    %get3A_7 = vector.load %arg4[%get3A_5, %get3A_6] : memref<1x32xf32, #tpu.memory_space<vmem>>, vector<1x32xf32>
    %dot_general3A = arith.constant dense<0.000000e+00> : vector<1x8192xf32>
    %dot_general3A_8 = tpu.matmul %get3A_7, %mul3A, %dot_general3A {dimension_numbers = #tpu.dot_dimension_numbers<[1], [0], [0], [1], [0, 0, 1, 1], [], []>, transpose_lhs_hint = false} : vector<1x32xf32>, vector<32x8192xf32>, vector<1x8192xf32> -> vector<1x8192xf32>
    %get3A_9 = arith.constant 0 : index
    %get3A_10 = arith.constant 0 : index
    %get3A_11 = vector.load %arg3[%get3A_9, %get3A_10] : memref<64x128xf32, #tpu.memory_space<vmem>>, vector<64x128xf32>
    %reshape3A = vector.shape_cast %dot_general3A_8 : vector<1x8192xf32> to vector<64x128xf32>
    %add3A = arith.addf %get3A_11, %reshape3A : vector<64x128xf32>
    %neg3A = arith.constant 0.000000e+00 : f32
    %neg3A_12 = vector.broadcast %neg3A : f32 to vector<64x128xf32>
    %neg3A_13 = arith.subf %neg3A_12, %add3A : vector<64x128xf32>
    %exp3A = math.exp %neg3A_13 : vector<64x128xf32>
    %add3A_14 = arith.constant 1.000000e+00 : f32
    %add3A_15 = vector.broadcast %add3A_14 : f32 to vector<64x128xf32>
    %add3A_16 = arith.addf %add3A_15, %exp3A : vector<64x128xf32>
    %div3A = arith.constant 1.000000e+00 : f32
    %div3A_17 = vector.broadcast %div3A : f32 to vector<64x128xf32>
    %div3A_18 = arith.divf %div3A_17, %add3A_16 : vector<64x128xf32>
    %swap3A = arith.constant 0 : index
    %swap3A_19 = arith.constant 0 : index
    %swap3A_20 = vector.load %arg5[%swap3A, %swap3A_19] : memref<64x128xf32, #tpu.memory_space<vmem>>, vector<64x128xf32>
    tpu.vector_store %arg5[%swap3A, %swap3A_19], %div3A_18 {strides = array<i32>} : memref<64x128xf32, #tpu.memory_space<vmem>>, vector<64x128xf32>,
    return
  }
  func.func @transform_0(%arg0: i32) -> (i32, i32) {
    %c0_i32 = arith.constant 0 : i32
    %c0_i32_0 = arith.constant 0 : i32
    return %c0_i32, %arg0 : i32, i32
  }
  func.func @transform_1(%arg0: i32) -> (i32, i32) {
    %c0_i32 = arith.constant 0 : i32
    %c0_i32_0 = arith.constant 0 : i32
    return %c0_i32, %arg0 : i32, i32
  }
  func.func @transform_2(%arg0: i32) -> (i32, i32) {
    %c0_i32 = arith.constant 0 : i32
    %c0_i32_0 = arith.constant 0 : i32
    return %arg0, %c0_i32 : i32, i32
  }
  func.func @transform_3(%arg0: i32) -> (i32, i32) {
    %c0_i32 = arith.constant 0 : i32
    %c0_i32_0 = arith.constant 0 : i32
    %c0_i32_1 = arith.constant 0 : i32
    return %c0_i32, %c0_i32_0 : i32, i32
  }
  func.func @transform_4(%arg0: i32) -> (i32, i32) {
    %c0_i32 = arith.constant 0 : i32
    %c0_i32_0 = arith.constant 0 : i32
    return %arg0, %c0_i32 : i32, i32
  }
}

module attributes {stable_mosaic.version = 14 : i64} {
  func.func @body(%arg0: i32, %arg1: memref<2048x128xf32, #tpu.memory_space<vmem>>, %arg2: memref<2048x128xf32, #tpu.memory_space<vmem>>, %arg3: memref<128x128xf32, #tpu.memory_space<vmem>>, %arg4: memref<128x128xf32, #tpu.memory_space<vmem>>, %arg5: memref<1x128xf32, #tpu.memory_space<vmem>>, %arg6: memref<128x64xf32, #tpu.memory_space<vmem>>, %arg7: memref<1x64xf32, #tpu.memory_space<vmem>>, %arg8: memref<64x32xf32, #tpu.memory_space<vmem>>, %arg9: memref<1x32xf32, #tpu.memory_space<vmem>>, %arg10: memref<1x32xf32, #tpu.memory_space<vmem>>, %arg11: memref<1x1xf32, #tpu.memory_space<vmem>>, %arg12: memref<16x128xf32, #tpu.memory_space<vmem>>) attributes {dimension_semantics = [#tpu.dimension_semantics<arbitrary>], iteration_bounds = array<i64: 8>, scalar_prefetch = 0 : i64, scratch_operands = 0 : i64, tpu.core_type = #tpu.core_type<tc>, window_params = [{transform_indices = @transform_0, window_bounds = array<i64: 2048, 128>}, {transform_indices = @transform_1, window_bounds = array<i64: 2048, 128>}, {pipeline_mode = #tpu.pipeline_mode<synchronous>, transform_indices = @transform_2, window_bounds = array<i64: 128, 128>}, {pipeline_mode = #tpu.pipeline_mode<synchronous>, transform_indices = @transform_3, window_bounds = array<i64: 128, 128>}, {pipeline_mode = #tpu.pipeline_mode<synchronous>, transform_indices = @transform_4, window_bounds = array<i64: 1, 128>}, {pipeline_mode = #tpu.pipeline_mode<synchronous>, transform_indices = @transform_5, window_bounds = array<i64: 128, 64>}, {pipeline_mode = #tpu.pipeline_mode<synchronous>, transform_indices = @transform_6, window_bounds = array<i64: 1, 64>}, {pipeline_mode = #tpu.pipeline_mode<synchronous>, transform_indices = @transform_7, window_bounds = array<i64: 64, 32>}, {pipeline_mode = #tpu.pipeline_mode<synchronous>, transform_indices = @transform_8, window_bounds = array<i64: 1, 32>}, {pipeline_mode = #tpu.pipeline_mode<synchronous>, transform_indices = @transform_9, window_bounds = array<i64: 1, 32>}, {pipeline_mode = #tpu.pipeline_mode<synchronous>, transform_indices = @transform_10, window_bounds = array<i64: 1, 1>}, {transform_indices = @transform_11, window_bounds = array<i64: 16, 128>}]} {
    %get3A = arith.constant 0 : index
    %get3A_0 = arith.constant 0 : index
    %get3A_1 = vector.load %arg1[%get3A, %get3A_0] : memref<2048x128xf32, #tpu.memory_space<vmem>>, vector<2048x128xf32>
    %get3A_2 = arith.constant 0 : index
    %get3A_3 = arith.constant 0 : index
    %get3A_4 = vector.load %arg3[%get3A_2, %get3A_3] : memref<128x128xf32, #tpu.memory_space<vmem>>, vector<128x128xf32>
    %dot_general3A = arith.constant dense<0.000000e+00> : vector<2048x128xf32>
    %dot_general3A_5 = tpu.matmul %get3A_1, %get3A_4, %dot_general3A {dimension_numbers = #tpu.dot_dimension_numbers<[1], [0], [0], [1], [0, 0, 1, 1], [], []>, transpose_lhs_hint = false} : vector<2048x128xf32>, vector<128x128xf32>, vector<2048x128xf32> -> vector<2048x128xf32>
    %get3A_6 = arith.constant 0 : index
    %get3A_7 = arith.constant 0 : index
    %get3A_8 = vector.load %arg2[%get3A_6, %get3A_7] : memref<2048x128xf32, #tpu.memory_space<vmem>>, vector<2048x128xf32>
    %get3A_9 = arith.constant 0 : index
    %get3A_10 = arith.constant 0 : index
    %get3A_11 = vector.load %arg4[%get3A_9, %get3A_10] : memref<128x128xf32, #tpu.memory_space<vmem>>, vector<128x128xf32>
    %dot_general3A_12 = arith.constant dense<0.000000e+00> : vector<2048x128xf32>
    %dot_general3A_13 = tpu.matmul %get3A_8, %get3A_11, %dot_general3A_12 {dimension_numbers = #tpu.dot_dimension_numbers<[1], [0], [0], [1], [0, 0, 1, 1], [], []>, transpose_lhs_hint = false} : vector<2048x128xf32>, vector<128x128xf32>, vector<2048x128xf32> -> vector<2048x128xf32>
    %add3A = arith.addf %dot_general3A_5, %dot_general3A_13 : vector<2048x128xf32>
    %get3A_14 = arith.constant 0 : index
    %get3A_15 = arith.constant 0 : index
    %get3A_16 = vector.load %arg5[%get3A_14, %get3A_15] : memref<1x128xf32, #tpu.memory_space<vmem>>, vector<1x128xf32>
    %add3A_17 = vector.broadcast %get3A_16 : vector<1x128xf32> to vector<2048x128xf32>
    %add3A_18 = arith.addf %add3A, %add3A_17 : vector<2048x128xf32>
    %max3A = arith.constant 0.000000e+00 : f32
    %max3A_19 = vector.broadcast %max3A : f32 to vector<2048x128xf32>
    %max3A_20 = arith.maximumf %add3A_18, %max3A_19 : vector<2048x128xf32>
    %get3A_21 = arith.constant 0 : index
    %get3A_22 = arith.constant 0 : index
    %get3A_23 = vector.load %arg6[%get3A_21, %get3A_22] : memref<128x64xf32, #tpu.memory_space<vmem>>, vector<128x64xf32>
    %dot_general3A_24 = arith.constant dense<0.000000e+00> : vector<2048x64xf32>
    %dot_general3A_25 = tpu.matmul %max3A_20, %get3A_23, %dot_general3A_24 {dimension_numbers = #tpu.dot_dimension_numbers<[1], [0], [0], [1], [0, 0, 1, 1], [], []>, transpose_lhs_hint = false} : vector<2048x128xf32>, vector<128x64xf32>, vector<2048x64xf32> -> vector<2048x64xf32>
    %get3A_26 = arith.constant 0 : index
    %get3A_27 = arith.constant 0 : index
    %get3A_28 = vector.load %arg7[%get3A_26, %get3A_27] : memref<1x64xf32, #tpu.memory_space<vmem>>, vector<1x64xf32>
    %add3A_29 = vector.broadcast %get3A_28 : vector<1x64xf32> to vector<2048x64xf32>
    %add3A_30 = arith.addf %dot_general3A_25, %add3A_29 : vector<2048x64xf32>
    %max3A_31 = arith.constant 0.000000e+00 : f32
    %max3A_32 = vector.broadcast %max3A_31 : f32 to vector<2048x64xf32>
    %max3A_33 = arith.maximumf %add3A_30, %max3A_32 : vector<2048x64xf32>
    %get3A_34 = arith.constant 0 : index
    %get3A_35 = arith.constant 0 : index
    %get3A_36 = vector.load %arg8[%get3A_34, %get3A_35] : memref<64x32xf32, #tpu.memory_space<vmem>>, vector<64x32xf32>
    %dot_general3A_37 = arith.constant dense<0.000000e+00> : vector<2048x32xf32>
    %dot_general3A_38 = tpu.matmul %max3A_33, %get3A_36, %dot_general3A_37 {dimension_numbers = #tpu.dot_dimension_numbers<[1], [0], [0], [1], [0, 0, 1, 1], [], []>, transpose_lhs_hint = false} : vector<2048x64xf32>, vector<64x32xf32>, vector<2048x32xf32> -> vector<2048x32xf32>
    %get3A_39 = arith.constant 0 : index
    %get3A_40 = arith.constant 0 : index
    %get3A_41 = vector.load %arg9[%get3A_39, %get3A_40] : memref<1x32xf32, #tpu.memory_space<vmem>>, vector<1x32xf32>
    %add3A_42 = vector.broadcast %get3A_41 : vector<1x32xf32> to vector<2048x32xf32>
    %add3A_43 = arith.addf %dot_general3A_38, %add3A_42 : vector<2048x32xf32>
    %max3A_44 = arith.constant 0.000000e+00 : f32
    %max3A_45 = vector.broadcast %max3A_44 : f32 to vector<2048x32xf32>
    %max3A_46 = arith.maximumf %add3A_43, %max3A_45 : vector<2048x32xf32>
    %get3A_47 = arith.constant 0 : index
    %get3A_48 = arith.constant 0 : index
    %get3A_49 = vector.load %arg10[%get3A_47, %get3A_48] : memref<1x32xf32, #tpu.memory_space<vmem>>, vector<1x32xf32>
    %mul3A = vector.broadcast %get3A_49 : vector<1x32xf32> to vector<2048x32xf32>
    %mul3A_50 = arith.mulf %max3A_46, %mul3A : vector<2048x32xf32>
    %reduce_sum3A = arith.constant dense<0.000000e+00> : vector<2048xf32>
    %reduce_sum3A_51 = vector.multi_reduction <add>, %mul3A_50, %reduce_sum3A [1] : vector<2048x32xf32> to vector<2048xf32>
    %get3A_52 = arith.constant 0 : index
    %get3A_53 = arith.constant 0 : index
    %get3A_54 = vector.load %arg11[%get3A_52, %get3A_53] : memref<1x1xf32, #tpu.memory_space<vmem>>, vector<1x1xf32>
    %get3A_55 = vector.extract %get3A_54[0, 0] : f32 from vector<1x1xf32>
    %add3A_56 = vector.broadcast %get3A_55 : f32 to vector<2048xf32>
    %add3A_57 = arith.addf %reduce_sum3A_51, %add3A_56 : vector<2048xf32>
    %reshape3A = vector.shape_cast %add3A_57 : vector<2048xf32> to vector<16x128xf32>
    %swap3A = arith.constant 0 : index
    %swap3A_58 = arith.constant 0 : index
    %swap3A_59 = vector.load %arg12[%swap3A, %swap3A_58] : memref<16x128xf32, #tpu.memory_space<vmem>>, vector<16x128xf32>
    tpu.vector_store %arg12[%swap3A, %swap3A_58], %reshape3A {strides = array<i32>} : memref<16x128xf32, #tpu.memory_space<vmem>>, vector<16x128xf32>,
    return
  }
  func.func @transform_0(%arg0: i32) -> (i32, i32) {
    %c0_i32 = arith.constant 0 : i32
    %c0_i32_0 = arith.constant 0 : i32
    return %arg0, %c0_i32 : i32, i32
  }
  func.func @transform_1(%arg0: i32) -> (i32, i32) {
    %c0_i32 = arith.constant 0 : i32
    %c0_i32_0 = arith.constant 0 : i32
    return %arg0, %c0_i32 : i32, i32
  }
  func.func @transform_2(%arg0: i32) -> (i32, i32) {
    %c0_i32 = arith.constant 0 : i32
    %c0_i32_0 = arith.constant 0 : i32
    %c0_i32_1 = arith.constant 0 : i32
    return %c0_i32, %c0_i32_0 : i32, i32
  }
  func.func @transform_3(%arg0: i32) -> (i32, i32) {
    %c0_i32 = arith.constant 0 : i32
    %c0_i32_0 = arith.constant 0 : i32
    %c0_i32_1 = arith.constant 0 : i32
    return %c0_i32, %c0_i32_0 : i32, i32
  }
  func.func @transform_4(%arg0: i32) -> (i32, i32) {
    %c0_i32 = arith.constant 0 : i32
    %c0_i32_0 = arith.constant 0 : i32
    %c0_i32_1 = arith.constant 0 : i32
    return %c0_i32, %c0_i32_0 : i32, i32
  }
  func.func @transform_5(%arg0: i32) -> (i32, i32) {
    %c0_i32 = arith.constant 0 : i32
    %c0_i32_0 = arith.constant 0 : i32
    %c0_i32_1 = arith.constant 0 : i32
    return %c0_i32, %c0_i32_0 : i32, i32
  }
  func.func @transform_6(%arg0: i32) -> (i32, i32) {
    %c0_i32 = arith.constant 0 : i32
    %c0_i32_0 = arith.constant 0 : i32
    %c0_i32_1 = arith.constant 0 : i32
    return %c0_i32, %c0_i32_0 : i32, i32
  }
  func.func @transform_7(%arg0: i32) -> (i32, i32) {
    %c0_i32 = arith.constant 0 : i32
    %c0_i32_0 = arith.constant 0 : i32
    %c0_i32_1 = arith.constant 0 : i32
    return %c0_i32, %c0_i32_0 : i32, i32
  }
  func.func @transform_8(%arg0: i32) -> (i32, i32) {
    %c0_i32 = arith.constant 0 : i32
    %c0_i32_0 = arith.constant 0 : i32
    %c0_i32_1 = arith.constant 0 : i32
    return %c0_i32, %c0_i32_0 : i32, i32
  }
  func.func @transform_9(%arg0: i32) -> (i32, i32) {
    %c0_i32 = arith.constant 0 : i32
    %c0_i32_0 = arith.constant 0 : i32
    %c0_i32_1 = arith.constant 0 : i32
    return %c0_i32, %c0_i32_0 : i32, i32
  }
  func.func @transform_10(%arg0: i32) -> (i32, i32) {
    %c0_i32 = arith.constant 0 : i32
    %c0_i32_0 = arith.constant 0 : i32
    %c0_i32_1 = arith.constant 0 : i32
    return %c0_i32, %c0_i32_0 : i32, i32
  }
  func.func @transform_11(%arg0: i32) -> (i32, i32) {
    %c0_i32 = arith.constant 0 : i32
    %c0_i32_0 = arith.constant 0 : i32
    return %arg0, %c0_i32 : i32, i32
  }
}

</mosaic_0001>

<sc_bundles>
// kernel: gather_offload_async_start.1
scs
__scs_entry_jumppad:
0x0: {  	(pc) =	sbr.rel $0x88, $3  }
0x1: {  	(tag) =	ssettag $0x0;
	lr =	simm.s32 $0x1  }
0x2: {  	[smem:$0x3F93] =	sst lr;
	_ =	strace $0xD0000000  }
0x3: {  	_ = 	snop  }
0x4: {  	_ = 	snop  }
0x5: {  	_ = 	snop  }
0x6: {  	_ = 	snop  }
0x7: {  	_ = 	snop  }
__scs_overlays_trampoline_lowered:
0x8: {  	[smem:$0x3FA2] =	sst s0  }
0x9: {  	[smem:$0x3FA3] =	sst s1  }
0xa: {  	[smem:$0x3FA4] =	sst s2  }
0xb: {  	[smem:$0x3FA5] =	sst s3  }
0xc: {  	[smem:$0x3FA6] =	sst s4  }
0xd: {  	[smem:$0x3FA7] =	sst s5  }
0xe: {  	[smem:$0x3FA8] =	sst s6  }
0xf: {  	[smem:$0x3FA9] =	sst s7  }
0x10: {  	[smem:$0x3FAA] =	sst s8  }
0x11: {  	[smem:$0x3FAB] =	sst s9;
	s0 =	simm.s32 @!p0 $0x0  }
0x12: {  	s1 =	sld [smem:$0x3F91];
	s0 =	simm.s32 @p0 $0x1  }
0x13: {  	[smem:$0x3FAC] =	sst s0;
	s0 =	simm.s32 @!p1 $0x0  }
0x14: {  	s2 =	sld [smem:$0x3F90];
	s0 =	simm.s32 @p1 $0x1  }
0x15: {  	[smem:$0x3FAD] =	sst s0;
	s0 =	simm.s32 @!p2 $0x0  }
0x16: {  	s3 =	sld [smem:$0x3FDB];
	s0 =	simm.s32 @p2 $0x1  }
0x17: {  	s4 =	simm.s32 $0x1BF5;
	[smem:$0x3FAF] =	sst s0  }
0x18: {  	s0 =	sld [smem:$0x3F92];
	_ =	swait.ge [sflag:s4], $0x0  }
0x19: {  	s7 =	sld [smem:$0x3F93]  }
0x1a: {  	s8 =	sadd.s32 $0xFFFFE003, lr  }
0x1b: {  	s9 =	sadd.s32 $0xFFFFFEF7, lr;
	s5 =	simm.s32 $0xFFFFFFFF;
	p2 =	slt.u32 s8, $0xFFFFF086  }
0x1c: {  	p1 =	slt.u32 s9, $0xF7A;
	s5 =	simm.s32 @!p2 $0x0  }
0x1d: {  	s5 =	simm.s32 @p1 $0x1;
	p0 =	seq.s32 s7, s2  }
0x1e: {  	s7 =	smul.u32 @!p0 $0xF7A, s2;
	p2 =	seq.s32 @!p0 s5, $0x0  }
0x1f: {  	s9 =	smul.u32 $0xF7A, s1;
	s8 =	simm.s32 @!p0 $0x1BF5;
	p2 =	por !p2, p0  }
0x20: {  	[sflag:s8] =	ssyncset.s32 @!p0 $0xFFFFF086;
	s6 =	sadd.s32 @!p0 s3, s7;
	s7 =	simm.s32 @!p0 $0x108  }
0x21: {  	s3 =	sadd.s32 s3, s9;
	s6 =	sadd.s32 @!p0 $0x88, s6;
	s7 =	simm.s32 @p2 $0x1082  }
0x22: {  	[simem:s7], [sflag:s8] =	dma.local @!p0 [hbm:s6], $0xF7A  }
0x23: {  	s9 =	sor.u32 $0xD0000000, s2;
	s6 =	simm.s32 $0x108;
	_ =	swait.ge @!p0 [sflag:s8], $0x0  }
0x24: {  	s3 =	sadd.s32 $0x88, s3;
	s6 =	simm.s32 @!p1 $0x1082;
	[sflag:s4] =	ssyncset.s32 $0xFFFFF086  }
0x25: {  	[simem:s6], [sflag:s4] =	dma.local [hbm:s3], $0xF7A  }
0x26: {  	[smem:$0x3F93] =	sst s1;
	(tag) =	ssettag s2;
	_ =	strace s9  }
0x27: {  	s1 =	sld [smem:$0x3FA3]  }
0x28: {  	s2 =	sld [smem:$0x3FA4]  }
0x29: {  	s4 =	sld [smem:$0x3FA6]  }
0x2a: {  	p0 =	seq.s32 s5, $0x0;
	s5 =	sld [smem:$0x3FA7]  }
0x2b: {  	s6 =	sld [smem:$0x3FA8]  }
0x2c: {  	s7 =	sld [smem:$0x3FA9]  }
0x2d: {  	s3 =	simm.s32 $0x108;
	s8 =	sld [smem:$0x3FAA]  }
0x2e: {  	s3 =	simm.s32 @!p0 $0x1082;
	s9 =	sld [smem:$0x3FAB]  }
0x2f: {  	lr =	sadd.s32 s0, s3;
	s0 =	sld [smem:$0x3FA2]  }
0x30: {  	s3 =	sld [smem:$0x3FA5]  }
0x31: {  	[smem:$0x3FAE] =	sst s10  }
0x32: {  	s10 =	sld [smem:$0x3FAC];
	_ =	sdelay $0x3  }
0x33: {  	p0 =	seq.s32 s10, $0x1;
	s10 =	sld [smem:$0x3FAE];
	_ =	sdelay $0x3  }
0x34: {  	[smem:$0x3FAE] =	sst s10  }
0x35: {  	s10 =	sld [smem:$0x3FAD];
	_ =	sdelay $0x3  }
0x36: {  	p1 =	seq.s32 s10, $0x1;
	s10 =	sld [smem:$0x3FAE];
	_ =	sdelay $0x3  }
0x37: {  	[smem:$0x3FAE] =	sst s10  }
0x38: {  	s10 =	sld [smem:$0x3FAF]  }
0x39: {  	_ = 	snop;
	(pc) =	sbr.ind lr, $3  }
0x3a: {  	_ = 	snop  }
0x3b: {  	_ = 	snop  }
0x3c: {  	p2 =	seq.s32 s10, $0x1;
	s10 =	sld [smem:$0x3FAE]  }
0x3d: {  	_ =	shalt  }
0x3e: {  	_ =	shalt  }
0x3f: {  	_ =	shalt  }
0x40: {  	_ =	shalt  }
0x41: {  	_ =	shalt  }
0x42: {  	_ =	shalt  }
0x43: {  	_ =	shalt  }
0x44: {  	_ =	shalt  }
0x45: {  	_ =	shalt  }
0x46: {  	_ =	shalt  }
0x47: {  	_ =	shalt  }
0x48: {  	_ =	shalt  }
0x49: {  	_ =	shalt  }
0x4a: {  	_ =	shalt  }
0x4b: {  	_ =	shalt  }
0x4c: {  	_ =	shalt  }
0x4d: {  	_ =	shalt  }
0x4e: {  	_ =	shalt  }
0x4f: {  	_ =	shalt  }
0x50: {  	_ =	shalt  }
0x51: {  	_ =	shalt  }
0x52: {  	_ =	shalt  }
0x53: {  	_ =	shalt  }
0x54: {  	_ =	shalt  }
0x55: {  	_ =	shalt  }
0x56: {  	_ =	shalt  }
0x57: {  	_ =	shalt  }
0x58: {  	_ =	shalt  }
0x59: {  	_ =	shalt  }
0x5a: {  	_ =	shalt  }
0x5b: {  	_ =	shalt  }
0x5c: {  	_ =	shalt  }
0x5d: {  	_ =	shalt  }
0x5e: {  	_ =	shalt  }
0x5f: {  	_ =	shalt  }
0x60: {  	_ =	shalt  }
0x61: {  	_ =	shalt  }
0x62: {  	_ =	shalt  }
0x63: {  	_ =	shalt  }
0x64: {  	_ =	shalt  }
0x65: {  	_ =	shalt  }
0x66: {  	_ =	shalt  }
0x67: {  	_ =	shalt  }
0x68: {  	_ =	shalt  }
0x69: {  	_ =	shalt  }
0x6a: {  	_ =	shalt  }
0x6b: {  	_ =	shalt  }
0x6c: {  	_ =	shalt  }
0x6d: {  	_ =	shalt  }
0x6e: {  	_ =	shalt  }
0x6f: {  	_ =	shalt  }
0x70: {  	_ =	shalt  }
0x71: {  	_ =	shalt  }
0x72: {  	_ =	shalt  }
0x73: {  	_ =	shalt  }
0x74: {  	_ =	shalt  }
0x75: {  	_ =	shalt  }
0x76: {  	_ =	shalt  }
0x77: {  	_ =	shalt  }
0x78: {  	_ =	shalt  }
0x79: {  	_ =	shalt  }
0x7a: {  	_ =	shalt  }
0x7b: {  	_ =	shalt  }
0x7c: {  	_ =	shalt  }
0x7d: {  	_ =	shalt  }
0x7e: {  	_ =	shalt  }
0x7f: {  	_ =	shalt  }
0x80: {  	_ =	shalt  }
0x81: {  	_ =	shalt  }
0x82: {  	_ =	shalt  }
0x83: {  	_ =	shalt  }
0x84: {  	_ =	shalt  }
0x85: {  	_ =	shalt  }
0x86: {  	_ =	shalt  }
0x87: {  	_ =	shalt  }
.Lfunc_end0:
.L_simem_size_0:
called_computation.1_lowered:
.L_overlay_start_0:
0x88: {  	s2 =	sld [smem:$0x3FD9]  }
0x89: {  	s3 =	sld [smem:$0x3FFE];
	_ =	sdelay $0x1  }
0x8a: {  	s1 =	srdreg.scid  }
0x8b: {  	s0 =	sand.u32 $0x1, s1  }
0x8c: {  	s17 =	sshll.u32 s0, $0xA;
	s2 =	sadd.s32 s3, s2  }
0x8d: {  	s2 =	sadd.s32 s2, s17  }
0x8e: {  	[smem:$0x3FBA] =	sst s2  }
0x8f: {  	_ = 	snop  }
0x90: {  	s18 =	sld [smem:$0x3FC6];
	(tm) =	ssettm $0x1  }
0x91: {  	s19 =	sld [smem:$0x3FFB];
	_ =	sdelay $0x3  }
0x92: {  	_ =	strace s19  }
0x93: {  	s2 =	sld [smem:$0x3FFC];
	_ =	sdelay $0x3  }
0x94: {  	_ =	strace s2  }
0x95: {  	s2 =	sld [smem:$0x3FFD];
	_ =	sdelay $0x3  }
0x96: {  	_ =	strace s2  }
0x97: {  	_ =	strace $0x8FFFFFFF  }
0x98: {  	s20 =	sld [smem:$0x3FDB];
	_ =	sdelay $0x1  }
0x99: {  	s4 =	simm.s32 $_scs_section_size  }
0x9a: {  	s5 =	simm.s32 $_size__tile_overlayer_lowered;
	s6 =	simm.s32 $_tile_overlayer_lowered  }
0x9b: {  	s7 =	simm.s32 $0x1BFF;
	s21 =	sshll.u32 s6, $0x1;
	s4 =	sadd.s32 s4, s20  }
0x9c: {  	s22 =	simm.s32 $0x0;
	s5 =	sshll.u32 s5, $0x1;
	s6 =	sadd.s32 s21, s4  }
0x9d: {  	[timem:s22], [sflag:s7] =	dma.local [hbm:s6], s5  }
0x9e: {  	_ =	swait.ge [sflag:s7], s5  }
0x9f: {  	s5 =	ssub.s32 $0x0, s5;
	[sflag:s7] =	ssyncset.done $0x0  }
0xa0: {  	[sflag:s7] =	ssyncadd.s32 s5;
	_ =	sdelay $0x1  }
0xa1: {  	s23 =	simm.s32 $0x1B8B  }
0xa2: {  	_ =	swait.ge [sflag:s23], $0x1  }
0xa3: {  	[sflag:s23] =	ssyncset.done $0x0  }
0xa4: {  	[sflag:s23] =	ssyncadd.s32 $0xFFFFFFFF  }
0xa5: {  	s5 =	sld [smem:$0x0]  }
0xa6: {  	s6 =	sand.u32 $0xFFFFFFFE, s1  }
0xa7: {  	p0 =	sne.s32 s1, s6  }
0xa8: {  	s6 =	sshll.u32 @p0 s6, $0xE  }
0xa9: {  	s6 =	sadd.s32 @p0 $0x11B8D, s6;
	s7 =	sshll.u32 @p0 s5, $0x11  }
0xaa: {  	s6 =	sor.u32 @p0 s7, s6  }
0xab: {  	[sflag:s6] =	ssyncadd.remote.s32 @p0 $0x1;
	_ =	sdelay $0x1  }
0xac: {  	s6 =	simm.s32 @p0 $0x1B8D  }
0xad: {  	_ =	swait.eq @p0 [sflag:s6], $0x1  }
0xae: {  	[sflag:s6] =	ssyncadd.s32 @p0 $0xFFFFFFFF  }
0xaf: {  	s7 =	sshll.u32 @!p0 s1, $0xE  }
0xb0: {  	s7 =	sor.u32 @!p0 $0x4000, s7;
	s6 =	simm.s32 @!p0 $0x1B8D  }
0xb1: {  	s5 =	sshll.u32 @!p0 s5, $0x11;
	s7 =	sadd.s32 @!p0 $0x11B8D, s7;
	_ =	swait.eq @!p0 [sflag:s6], $0x1  }
0xb2: {  	s5 =	sor.u32 @!p0 s5, s7;
	[sflag:s6] =	ssyncadd.s32 @!p0 $0xFFFFFFFF  }
0xb3: {  	s25 =	simm.s32 $0x1B8E;
	s24 =	sld [smem:$0x3FFE];
	[sflag:s5] =	ssyncadd.remote.s32 @!p0 $0x1  }
0xb4: {  	s26 =	simm.s32 $execute0_lowered;
	[smem:$0x3FD2] =	sst s25  }
0xb5: {  	s6 =	sshll.u32 s26, $0x1;
	_ =	strace $0x8000004C;
	[dreg:$0x1] =	wrdreg $0xFFFFFFFF  }
0xb6: {  	s28 =	simm.s32 $_size_execute0_lowered;
	s4 =	sadd.s32 s4, s6;
	[dreg:$0x0] =	wrdreg $0x0  }
0xb7: {  	s6 =	sshll.u32 s28, $0x1;
	[dreg:$0x2] =	wrdreg s4  }
0xb8: {  	[dreg:$0x3] =	wrdreg s6  }
0xb9: {  	[dreg:$0x4] =	wrdreg $0xC0  }
0xba: {  	_ =	task [dreg:s22], $0x5FFFF  }
0xbb: {  	[dreg:$0x1] =	wrdreg $0xFFFFFFFF  }
0xbc: {  	[dreg:$0x0] =	wrdreg $0x60  }
0xbd: {  	[dreg:$0x2] =	wrdreg s18  }
0xbe: {  	[dreg:$0x3] =	wrdreg s24  }
0xbf: {  	[dreg:$0x4] =	wrdreg $0xA  }
0xc0: {  	_ =	task.clear_ibuf [dreg:s22], $0x5FFFF;
	_ =	strace $0x9000004C  }
0xc1: {  	s29 =	simm.s32 $0xA;
	_ =	strace $0x8000004E  }
0xc2: {  	_ =	swait.ge [sflag:s29], $0x1  }
0xc3: {  	[sflag:s29] =	ssyncadd.s32 $0xFFFFFFFF  }
0xc4: {  	_ =	strace $0x9000004E  }
0xc5: {  	_ =	sfence  }
0xc6: {  	s30 =	sld [smem:$0x0];
	_ =	sdelay $0x2  }
0xc7: {  	s31 =	sshll.u32 s1, $0xD;
	s1 =	sshrl.u32 s1, $0x2  }
0xc8: {  	s4 =	sand.u32 $0x4000, s31;
	s1 =	sadd.s32 s1, s30  }
0xc9: {  	s0 =	sor.u32 s4, s0;
	s1 =	sshll.u32 s1, $0x11  }
0xca: {  	s0 =	sor.u32 s1, s0  }
0xcb: {  	s0 =	sadd.s32 $0x8F2B, s0  }
0xcc: {  	[sflag:s0] =	ssyncadd.remote.s32 $0x1  }
0xcd: {  	_ =	sfence.sel $0xFFFF  }
0xce: {  	[dreg:$0x0] =	wrdreg $0xFFFFFFFF;
	(pc) =	sbr.abs _section_cstart, $3  }
0xcf: {  	[dreg:$0x1] =	wrdreg $0xFFFFFFFF  }
0xd0: {  	_ =	task.clear_ibuf [dreg:s22], $0x2FFFF;
	_ =	strace $0x9FFFFFFF  }
0xd1: {  	(tm) =	ssettm $0x7FFFFFFF  }
tec
execute0_lowered:
.L_overlay_start_1:
0x0: {  	(tag) =	ssettag $0x1  }
0x1: {  	s1 =	srdreg.scid  }
0x2: {  	s2 =	rddreg [dreg:$0x0];
	s0 =	stileid.u32  }
0x3: {  	s11 =	rddreg [dreg:$0x1];
	s5 =	simm.s32 $0x2;
	s1 =	sshll.u32 s1, $0x9  }
0x4: {  	s9 =	simm.s32 $0x3;
	s3 =	sshll.u32 s0, $0xA;
	s4 =	sand.u32 $0x200, s1  }
0x5: {  	s13 =	simm.s32 $0x0;
	s15 =	simm.s32 $0x0;
	s3 =	sor.u32 s3, s4  }
0x6: {  	s14 =	simm.s32 $0x0;
	s1 =	rddreg [dreg:$0x2];
	s4 =	sshrl.u32 s3, $0x3  }
0x7: {  	_ =	strace $0x8000004D;
	s6 =	ssub.s32 $0x4000, s3;
	s8 =	sadd.s32 s4, s11  }
0x8: {  	s4 =	simm.s32 $0x1;
	s7 =	sand.u32 $0x3E00, s6;
	s10 =	sshrl.u32 s6, $0xE  }
.Ltmp0:
0x9: {  	s6 =	sadd.s32 $0x93800, s11;
	[sflag:s4] =	ssyncpa.u1 $0x0;
	(pc) =	sbr.rel .LBB2_1-.Ltmp0, $4  }
0xa: {  	p0 =	sne.s32 s7, $0x0;
	s7 =	simm.s32 $0x1;
	s8 =	sadd.s32 $0x83000, s8  }
0xb: {  	[sflag:s5] =	ssyncpa.u1 $0x0;
	s7 =	simm.s32 @!p0 $0x0;
	p0 =	por $0x0, $0x0  }
0xc: {  	[sflag:s9] =	ssyncpa.u1 $0x0;
	s7 =	sadd.s32 s7, s10;
	s9 =	sadd.s32 $0x97800, s11  }
0xd: {  	vm0 =	vmmov $0xffff;
	s10 =	sadd.s32 $0x9B800, s11;
	s11 =	sadd.s32 $0x9F800, s11;
	s12 =	sadd.s32 $0x1, s7  }
.LBB2_4:
0xe: {  	_ =	sdelay $0x3  }
0xf: {  	[tilespmem:s21], [sflag:$0x1] =	stream.indirect_vreg.gather [hbm4b:s2+s13], $0x1, v0, vm0, $0x4038;
	[tilespmem:$0x8400] =	vst v63  }
0x10: {  	s18 =	sshll.u32 s15, $0x3  }
0x11: {  	s24 =	sand.u32 $0x78, s15;
	s18 =	sand.u32 $0x7FFFFC00, s18  }
0x12: {  	_ =	swait.ge [sflag:s4], $0x4000;
	s15 =	sor.u32 s24, s18  }
0x13: {  	[sflag:s4] =	ssyncset.done $0x0;
	s15 =	sshrl.u32 s15, $0x3  }
0x14: {  	[sflag:s4] =	ssyncadd.s32 $0xFFFFC000;
	s25 =	sadd.s32 s6, s15  }
0x15: {  	[hbm:s25] =	stream.linear.scatter [tilespmem:s17], [sflag:$0x3], $0x1000, $0x38;
	[tilespmem:$0x8400] =	vst v63  }
0x16: {  	s26 =	sadd.s32 $0x1400, s16;
	s28 =	sadd.s32 s15, s9  }
0x17: {  	[hbm:s28] =	stream.linear.scatter [tilespmem:s26], [sflag:$0x3], $0x1000, $0x38;
	[tilespmem:$0x8400] =	vst v63  }
0x18: {  	s29 =	sadd.s32 $0x2400, s16;
	s30 =	sadd.s32 s15, s10  }
0x19: {  	[hbm:s30] =	stream.linear.scatter [tilespmem:s29], [sflag:$0x3], $0x1000, $0x38;
	[tilespmem:$0x8400] =	vst v63  }
0x1a: {  	s31 =	sadd.s32 $0x3400, s16;
	s15 =	sadd.s32 s15, s11  }
0x1b: {  	[hbm:s15] =	stream.linear.scatter [tilespmem:s31], [sflag:$0x3], $0x1000, $0x38;
	[tilespmem:$0x8400] =	vst v63  }
.LBB2_5:
0x1c: {  	p2 =	sne.s32 s14, s12  }
.Ltmp1:
0x1d: {  	p1 =	slt.u32 s14, $0x2;
	(pc) =	sbr.rel @!p2 .LBB2_6-.Ltmp1, $4  }
0x1e: {  	s15 =	simm.s32 @!p1 $0x3  }
0x1f: {  	_ =	swait.ge @!p1 [sflag:s15], $0x4000  }
0x20: {  	s16 =	sadd.s32 $0x1, s14;
	p0 =	por !p0, !p0;
	[sflag:s15] =	ssyncset.done @!p1 $0x0  }
0x21: {  	s14 =	smov.u32 s16;
	[sflag:s15] =	ssyncadd.s32 @!p1 $0xFFFFC000;
	s15 =	smov.u32 s3  }
.LBB2_1:
0x22: {  	p1 =	sge.u32 s14, s7  }
0x23: {  	s16 =	sxor.u32 @!p1 $0xFFFFFFFF, s14  }
0x24: {  	s16 =	sshll.u32 @!p1 s16, $0x9  }
0x25: {  	s31 =	sadd.s32 $0xFFFFFFFF, s14;
	s17 =	simm.s32 @!p1 $0x0;
	s16 =	sand.u32 @!p1 $0x200, s16  }
0x26: {  	[tilespmem:s16], [sflag:$0x2] =	stream.linear.gather @!p1 [hbm4b:s8+s17], $0x200, $0x38;
	[tilespmem:$0x8400] =	vst v63  }
0x27: {  	p1 =	sge.u32 s31, s7  }
.Ltmp2:
0x28: {  	_ = 	snop;
	(pc) =	sbr.rel @p1 .LBB2_5-.Ltmp2, $1  }
0x29: {  	_ =	sdelay $0x3  }
0x2a: {  	s16 =	simm.s32 $0x1;
	_ =	swait.ge [sflag:s5], $0x200  }
0x2b: {  	s16 =	simm.s32 @!p0 $0x0;
	[sflag:s5] =	ssyncset.done $0x0  }
0x2c: {  	s19 =	sshll.u32 s16, $0x9;
	[sflag:s5] =	ssyncadd.s32 $0xFFFFFE00  }
0x2d: {  	v0 =	vld.msk [tilespmem:s19+$0x0 ss:$0x1], $0xffff;
	_ =	sdelay $0x4  }
0x2e: {  	vm1 =	vgt.s32 v0, $0x0  }
0x2f: {  	v0 =	vnsel vm1, $0x0, v0  }
0x30: {  	v0 =	vmin.u32 v0, $0xF423F  }
0x31: {  	v1 =	vshll.u32 v0, $0x3  }
0x32: {  	v0 =	vand.u32 $0x7F, v0;
	v1 =	vand.u32 $0x7FFC00, v1  }
0x33: {  	s22 =	sshll.u32 s14, $0xE;
	v0 =	vor.u32 v0, v1  }
0x34: {  	s18 =	simm.s32 $0x0;
	s16 =	sand.u32 $0x4000, s22  }
0x35: {  	s20 =	sand.u32 $0xC00, s18;
	s17 =	sor.u32 $0x400, s16  }
0x36: {  	s21 =	sand.u32 $0x70, s18;
	(ifvalue) =	ssetifvalue $0x7FFFFFFF;
	s20 =	sadd.s32 s20, s17;
	v1 =	vor.u32 $0x80, v0  }
0x37: {  	(ifvalue) =	ssetifvalue $0x7FFFFFFF;
	s20 =	sadd.s32 s21, s20  }
0x38: {  	[tilespmem:s20], [sflag:$0x1] =	stream.indirect_vreg.gather [hbm4b:s2+s13], $0x1, v0, vm0, $0x4038;
	[tilespmem:$0x8400] =	vst v63  }
0x39: {  	v2 =	vor.u32 $0x100, v0;
	(ifvalue) =	ssetifvalue $0x7FFFFFFF  }
0x3a: {  	s21 =	sadd.s32 $0x80, s20;
	(ifvalue) =	ssetifvalue $0x7FFFFFFF  }
0x3b: {  	[tilespmem:s21], [sflag:$0x1] =	stream.indirect_vreg.gather [hbm4b:s2+s13], $0x1, v1, vm0, $0x4038;
	[tilespmem:$0x8400] =	vst v63  }
0x3c: {  	v1 =	vor.u32 $0x180, v0;
	(ifvalue) =	ssetifvalue $0x7FFFFFFF  }
0x3d: {  	s23 =	sadd.s32 $0x100, s20;
	(ifvalue) =	ssetifvalue $0x7FFFFFFF  }
0x3e: {  	[tilespmem:s23], [sflag:$0x1] =	stream.indirect_vreg.gather [hbm4b:s2+s13], $0x1, v2, vm0, $0x4038;
	[tilespmem:$0x8400] =	vst v63  }
0x3f: {  	v2 =	vor.u32 $0x200, v0;
	(ifvalue) =	ssetifvalue $0x7FFFFFFF  }
0x40: {  	s24 =	sadd.s32 $0x180, s20;
	(ifvalue) =	ssetifvalue $0x7FFFFFFF  }
0x41: {  	[tilespmem:s24], [sflag:$0x1] =	stream.indirect_vreg.gather [hbm4b:s2+s13], $0x1, v1, vm0, $0x4038;
	[tilespmem:$0x8400] =	vst v63  }
0x42: {  	(ifvalue) =	ssetifvalue $0x7FFFFFFF;
	v1 =	vor.u32 $0x280, v0  }
0x43: {  	s25 =	sadd.s32 $0x200, s20;
	(ifvalue) =	ssetifvalue $0x7FFFFFFF  }
0x44: {  	[tilespmem:s25], [sflag:$0x1] =	stream.indirect_vreg.gather [hbm4b:s2+s13], $0x1, v2, vm0, $0x4038;
	[tilespmem:$0x8400] =	vst v63  }
0x45: {  	(ifvalue) =	ssetifvalue $0x7FFFFFFF;
	v2 =	vor.u32 $0x300, v0  }
0x46: {  	s26 =	sadd.s32 $0x280, s20;
	(ifvalue) =	ssetifvalue $0x7FFFFFFF  }
0x47: {  	[tilespmem:s26], [sflag:$0x1] =	stream.indirect_vreg.gather [hbm4b:s2+s13], $0x1, v1, vm0, $0x4038;
	[tilespmem:$0x8400] =	vst v63  }
0x48: {  	(ifvalue) =	ssetifvalue $0x7FFFFFFF;
	v1 =	vor.u32 $0x380, v0  }
0x49: {  	s18 =	sor.u32 s18, s18;
	s28 =	sadd.s32 $0x300, s20;
	(ifvalue) =	ssetifvalue $0x7FFFFFFF  }
0x4a: {  	[tilespmem:s28], [sflag:$0x1] =	stream.indirect_vreg.gather [hbm4b:s2+s13], $0x1, v2, vm0, $0x4038;
	[tilespmem:$0x8400] =	vst v63  }
0x4b: {  	s18 =	sor.u32 $0x380, s18;
	(ifvalue) =	ssetifvalue $0x7FFFFFFF;
	v2 =	vadd.s32 $0x7A1400, v0  }
0x4c: {  	s18 =	sadd.s32 s18, s17;
	(ifvalue) =	ssetifvalue $0x7FFFFFFF  }
0x4d: {  	[tilespmem:s18], [sflag:$0x1] =	stream.indirect_vreg.gather [hbm4b:s2+s13], $0x1, v1, vm0, $0x4038;
	[tilespmem:$0x8400] =	vst v63  }
0x4e: {  	(ifvalue) =	ssetifvalue $0x7FFFFFFF;
	v1 =	vadd.s32 $0x7A1480, v0  }
0x4f: {  	s29 =	sadd.s32 $0x1000, s20;
	(ifvalue) =	ssetifvalue $0x7FFFFFFF  }
0x50: {  	[tilespmem:s29], [sflag:$0x1] =	stream.indirect_vreg.gather [hbm4b:s2+s13], $0x1, v2, vm0, $0x4038;
	[tilespmem:$0x8400] =	vst v63  }
0x51: {  	(ifvalue) =	ssetifvalue $0x7FFFFFFF;
	v2 =	vadd.s32 $0x7A1500, v0  }
0x52: {  	s30 =	sadd.s32 $0x1080, s20;
	(ifvalue) =	ssetifvalue $0x7FFFFFFF  }
0x53: {  	[tilespmem:s30], [sflag:$0x1] =	stream.indirect_vreg.gather [hbm4b:s2+s13], $0x1, v1, vm0, $0x4038;
	[tilespmem:$0x8400] =	vst v63  }
0x54: {  	(ifvalue) =	ssetifvalue $0x7FFFFFFF;
	v1 =	vadd.s32 $0x7A1580, v0  }
0x55: {  	s31 =	sadd.s32 $0x1100, s20;
	(ifvalue) =	ssetifvalue $0x7FFFFFFF  }
0x56: {  	[tilespmem:s31], [sflag:$0x1] =	stream.indirect_vreg.gather [hbm4b:s2+s13], $0x1, v2, vm0, $0x4038;
	[tilespmem:$0x8400] =	vst v63  }
0x57: {  	(ifvalue) =	ssetifvalue $0x7FFFFFFF;
	v2 =	vadd.s32 $0x7A1600, v0  }
0x58: {  	s21 =	sadd.s32 $0x1180, s20;
	(ifvalue) =	ssetifvalue $0x7FFFFFFF  }
0x59: {  	[tilespmem:s21], [sflag:$0x1] =	stream.indirect_vreg.gather [hbm4b:s2+s13], $0x1, v1, vm0, $0x4038;
	[tilespmem:$0x8400] =	vst v63  }
0x5a: {  	(ifvalue) =	ssetifvalue $0x7FFFFFFF;
	v1 =	vadd.s32 $0x7A1680, v0  }
0x5b: {  	s22 =	sadd.s32 $0x1200, s20;
	(ifvalue) =	ssetifvalue $0x7FFFFFFF  }
0x5c: {  	[tilespmem:s22], [sflag:$0x1] =	stream.indirect_vreg.gather [hbm4b:s2+s13], $0x1, v2, vm0, $0x4038;
	[tilespmem:$0x8400] =	vst v63  }
0x5d: {  	(ifvalue) =	ssetifvalue $0x7FFFFFFF;
	v2 =	vadd.s32 $0x7A1700, v0  }
0x5e: {  	s23 =	sadd.s32 $0x1280, s20;
	(ifvalue) =	ssetifvalue $0x7FFFFFFF  }
0x5f: {  	[tilespmem:s23], [sflag:$0x1] =	stream.indirect_vreg.gather [hbm4b:s2+s13], $0x1, v1, vm0, $0x4038;
	[tilespmem:$0x8400] =	vst v63  }
0x60: {  	(ifvalue) =	ssetifvalue $0x7FFFFFFF;
	v1 =	vadd.s32 $0x7A1780, v0  }
0x61: {  	s24 =	sadd.s32 $0x1300, s20;
	(ifvalue) =	ssetifvalue $0x7FFFFFFF  }
0x62: {  	[tilespmem:s24], [sflag:$0x1] =	stream.indirect_vreg.gather [hbm4b:s2+s13], $0x1, v2, vm0, $0x4038;
	[tilespmem:$0x8400] =	vst v63  }
0x63: {  	(ifvalue) =	ssetifvalue $0x7FFFFFFF;
	v2 =	vadd.s32 $0xF42800, v0  }
0x64: {  	s25 =	sadd.s32 $0x1380, s20;
	(ifvalue) =	ssetifvalue $0x7FFFFFFF  }
0x65: {  	[tilespmem:s25], [sflag:$0x1] =	stream.indirect_vreg.gather [hbm4b:s2+s13], $0x1, v1, vm0, $0x4038;
	[tilespmem:$0x8400] =	vst v63  }
0x66: {  	(ifvalue) =	ssetifvalue $0x7FFFFFFF;
	v1 =	vadd.s32 $0xF42880, v0  }
0x67: {  	s26 =	sadd.s32 $0x2000, s20;
	(ifvalue) =	ssetifvalue $0x7FFFFFFF  }
0x68: {  	[tilespmem:s26], [sflag:$0x1] =	stream.indirect_vreg.gather [hbm4b:s2+s13], $0x1, v2, vm0, $0x4038;
	[tilespmem:$0x8400] =	vst v63  }
0x69: {  	(ifvalue) =	ssetifvalue $0x7FFFFFFF;
	v2 =	vadd.s32 $0xF42900, v0  }
0x6a: {  	s28 =	sadd.s32 $0x2080, s20;
	(ifvalue) =	ssetifvalue $0x7FFFFFFF  }
0x6b: {  	[tilespmem:s28], [sflag:$0x1] =	stream.indirect_vreg.gather [hbm4b:s2+s13], $0x1, v1, vm0, $0x4038;
	[tilespmem:$0x8400] =	vst v63  }
0x6c: {  	(ifvalue) =	ssetifvalue $0x7FFFFFFF;
	v1 =	vadd.s32 $0xF42980, v0  }
0x6d: {  	s29 =	sadd.s32 $0x2100, s20;
	(ifvalue) =	ssetifvalue $0x7FFFFFFF  }
0x6e: {  	[tilespmem:s29], [sflag:$0x1] =	stream.indirect_vreg.gather [hbm4b:s2+s13], $0x1, v2, vm0, $0x4038;
	[tilespmem:$0x8400] =	vst v63  }
0x6f: {  	(ifvalue) =	ssetifvalue $0x7FFFFFFF;
	v2 =	vadd.s32 $0xF42A00, v0  }
0x70: {  	s30 =	sadd.s32 $0x2180, s20;
	(ifvalue) =	ssetifvalue $0x7FFFFFFF  }
0x71: {  	[tilespmem:s30], [sflag:$0x1] =	stream.indirect_vreg.gather [hbm4b:s2+s13], $0x1, v1, vm0, $0x4038;
	[tilespmem:$0x8400] =	vst v63  }
0x72: {  	(ifvalue) =	ssetifvalue $0x7FFFFFFF;
	v1 =	vadd.s32 $0xF42A80, v0  }
0x73: {  	s31 =	sadd.s32 $0x2200, s20;
	(ifvalue) =	ssetifvalue $0x7FFFFFFF  }
0x74: {  	[tilespmem:s31], [sflag:$0x1] =	stream.indirect_vreg.gather [hbm4b:s2+s13], $0x1, v2, vm0, $0x4038;
	[tilespmem:$0x8400] =	vst v63  }
0x75: {  	(ifvalue) =	ssetifvalue $0x7FFFFFFF;
	v2 =	vadd.s32 $0xF42B00, v0  }
0x76: {  	s21 =	sadd.s32 $0x2280, s20;
	(ifvalue) =	ssetifvalue $0x7FFFFFFF  }
0x77: {  	[tilespmem:s21], [sflag:$0x1] =	stream.indirect_vreg.gather [hbm4b:s2+s13], $0x1, v1, vm0, $0x4038;
	[tilespmem:$0x8400] =	vst v63  }
0x78: {  	(ifvalue) =	ssetifvalue $0x7FFFFFFF;
	v1 =	vadd.s32 $0xF42B80, v0  }
0x79: {  	s22 =	sadd.s32 $0x2300, s20;
	(ifvalue) =	ssetifvalue $0x7FFFFFFF  }
0x7a: {  	[tilespmem:s22], [sflag:$0x1] =	stream.indirect_vreg.gather [hbm4b:s2+s13], $0x1, v2, vm0, $0x4038;
	[tilespmem:$0x8400] =	vst v63  }
0x7b: {  	(ifvalue) =	ssetifvalue $0x7FFFFFFF;
	v2 =	vadd.s32 $0x16E3C00, v0  }
0x7c: {  	s23 =	sadd.s32 $0x2380, s20;
	(ifvalue) =	ssetifvalue $0x7FFFFFFF  }
0x7d: {  	[tilespmem:s23], [sflag:$0x1] =	stream.indirect_vreg.gather [hbm4b:s2+s13], $0x1, v1, vm0, $0x4038;
	[tilespmem:$0x8400] =	vst v63  }
0x7e: {  	(ifvalue) =	ssetifvalue $0x7FFFFFFF;
	v1 =	vadd.s32 $0x16E3C80, v0  }
0x7f: {  	s24 =	sadd.s32 $0x3000, s20;
	(ifvalue) =	ssetifvalue $0x7FFFFFFF  }
0x80: {  	[tilespmem:s24], [sflag:$0x1] =	stream.indirect_vreg.gather [hbm4b:s2+s13], $0x1, v2, vm0, $0x4038;
	[tilespmem:$0x8400] =	vst v63  }
0x81: {  	(ifvalue) =	ssetifvalue $0x7FFFFFFF;
	v2 =	vadd.s32 $0x16E3D00, v0  }
0x82: {  	s25 =	sadd.s32 $0x3080, s20;
	(ifvalue) =	ssetifvalue $0x7FFFFFFF  }
0x83: {  	[tilespmem:s25], [sflag:$0x1] =	stream.indirect_vreg.gather [hbm4b:s2+s13], $0x1, v1, vm0, $0x4038;
	[tilespmem:$0x8400] =	vst v63  }
0x84: {  	(ifvalue) =	ssetifvalue $0x7FFFFFFF;
	v1 =	vadd.s32 $0x16E3D80, v0  }
0x85: {  	s26 =	sadd.s32 $0x3100, s20;
	(ifvalue) =	ssetifvalue $0x7FFFFFFF  }
0x86: {  	[tilespmem:s26], [sflag:$0x1] =	stream.indirect_vreg.gather [hbm4b:s2+s13], $0x1, v2, vm0, $0x4038;
	[tilespmem:$0x8400] =	vst v63  }
0x87: {  	(ifvalue) =	ssetifvalue $0x7FFFFFFF;
	v2 =	vadd.s32 $0x16E3E00, v0  }
0x88: {  	s28 =	sadd.s32 $0x3180, s20;
	(ifvalue) =	ssetifvalue $0x7FFFFFFF  }
0x89: {  	[tilespmem:s28], [sflag:$0x1] =	stream.indirect_vreg.gather [hbm4b:s2+s13], $0x1, v1, vm0, $0x4038;
	[tilespmem:$0x8400] =	vst v63  }
0x8a: {  	(ifvalue) =	ssetifvalue $0x7FFFFFFF;
	v1 =	vadd.s32 $0x16E3E80, v0  }
0x8b: {  	s29 =	sadd.s32 $0x3200, s20;
	(ifvalue) =	ssetifvalue $0x7FFFFFFF  }
0x8c: {  	[tilespmem:s29], [sflag:$0x1] =	stream.indirect_vreg.gather [hbm4b:s2+s13], $0x1, v2, vm0, $0x4038;
	[tilespmem:$0x8400] =	vst v63  }
0x8d: {  	(ifvalue) =	ssetifvalue $0x7FFFFFFF;
	v2 =	vadd.s32 $0x16E3F00, v0  }
0x8e: {  	s30 =	sadd.s32 $0x3280, s20;
	(ifvalue) =	ssetifvalue $0x7FFFFFFF  }
0x8f: {  	[tilespmem:s30], [sflag:$0x1] =	stream.indirect_vreg.gather [hbm4b:s2+s13], $0x1, v1, vm0, $0x4038;
	[tilespmem:$0x8400] =	vst v63  }
0x90: {  	v0 =	vadd.s32 $0x16E3F80, v0;
	(ifvalue) =	ssetifvalue $0x7FFFFFFF  }
0x91: {  	s31 =	sadd.s32 $0x3300, s20;
	(ifvalue) =	ssetifvalue $0x7FFFFFFF  }
0x92: {  	[tilespmem:s31], [sflag:$0x1] =	stream.indirect_vreg.gather [hbm4b:s2+s13], $0x1, v2, vm0, $0x4038;
	[tilespmem:$0x8400] =	vst v63  }
0x93: {  	s19 =	sadd.s32 $0x10, s19;
	s18 =	simm.s32 $0x10;
	(ifvalue) =	ssetifvalue $0x7FFFFFFF  }
0x94: {  	s21 =	sadd.s32 $0x3380, s20;
	s20 =	simm.s32 $0x80;
	(ifvalue) =	ssetifvalue $0x7FFFFFFF  }
.LBB2_3:
0x95: {  	[tilespmem:s21], [sflag:$0x1] =	stream.indirect_vreg.gather [hbm4b:s2+s13], $0x1, v0, vm0, $0x4038;
	[tilespmem:$0x8400] =	vst v63  }
0x96: {  	p1 =	sne.s32 s18, $0x1F0;
	s22 =	smov.u32 s18;
	s18 =	sadd.s32 $0x10, s18;
	v0 =	vld.msk [tilespmem:s19+$0x0 ss:$0x1], $0xffff  }
0x97: {  	(ifvalue) =	ssetifvalue $0x7FFFFFFF;
	_ =	sdelay $0x4  }
0x98: {  	vm1 =	vgt.s32 v0, $0x0  }
0x99: {  	v0 =	vnsel vm1, $0x0, v0  }
0x9a: {  	v0 =	vmin.u32 v0, $0xF423F  }
0x9b: {  	v1 =	vshll.u32 v0, $0x3  }
0x9c: {  	v0 =	vand.u32 $0x7F, v0;
	v1 =	vand.u32 $0x7FFC00, v1  }
0x9d: {  	v0 =	vor.u32 v0, v1;
	_ =	sdelay $0x1  }
0x9e: {  	s21 =	sand.u32 $0xC00, s20  }
0x9f: {  	s23 =	sand.u32 $0x70, s22;
	s21 =	sadd.s32 s21, s17;
	v1 =	vor.u32 $0x80, v0  }
0xa0: {  	s21 =	sadd.s32 s23, s21;
	(ifvalue) =	ssetifvalue $0x7FFFFFFF  }
0xa1: {  	[tilespmem:s21], [sflag:$0x1] =	stream.indirect_vreg.gather [hbm4b:s2+s13], $0x1, v0, vm0, $0x4038;
	[tilespmem:$0x8400] =	vst v63  }
0xa2: {  	v2 =	vor.u32 $0x100, v0;
	(ifvalue) =	ssetifvalue $0x7FFFFFFF  }
0xa3: {  	s23 =	sadd.s32 $0x80, s21;
	(ifvalue) =	ssetifvalue $0x7FFFFFFF  }
0xa4: {  	[tilespmem:s23], [sflag:$0x1] =	stream.indirect_vreg.gather [hbm4b:s2+s13], $0x1, v1, vm0, $0x4038;
	[tilespmem:$0x8400] =	vst v63  }
0xa5: {  	v1 =	vor.u32 $0x180, v0;
	(ifvalue) =	ssetifvalue $0x7FFFFFFF  }
0xa6: {  	s23 =	sadd.s32 $0x100, s21;
	(ifvalue) =	ssetifvalue $0x7FFFFFFF  }
0xa7: {  	[tilespmem:s23], [sflag:$0x1] =	stream.indirect_vreg.gather [hbm4b:s2+s13], $0x1, v2, vm0, $0x4038;
	[tilespmem:$0x8400] =	vst v63  }
0xa8: {  	v2 =	vor.u32 $0x200, v0;
	(ifvalue) =	ssetifvalue $0x7FFFFFFF  }
0xa9: {  	s23 =	sadd.s32 $0x180, s21;
	(ifvalue) =	ssetifvalue $0x7FFFFFFF  }
0xaa: {  	[tilespmem:s23], [sflag:$0x1] =	stream.indirect_vreg.gather [hbm4b:s2+s13], $0x1, v1, vm0, $0x4038;
	[tilespmem:$0x8400] =	vst v63  }
0xab: {  	v1 =	vor.u32 $0x280, v0;
	(ifvalue) =	ssetifvalue $0x7FFFFFFF  }
0xac: {  	s23 =	sadd.s32 $0x200, s21;
	(ifvalue) =	ssetifvalue $0x7FFFFFFF  }
0xad: {  	[tilespmem:s23], [sflag:$0x1] =	stream.indirect_vreg.gather [hbm4b:s2+s13], $0x1, v2, vm0, $0x4038;
	[tilespmem:$0x8400] =	vst v63  }
0xae: {  	v2 =	vor.u32 $0x300, v0;
	(ifvalue) =	ssetifvalue $0x7FFFFFFF  }
0xaf: {  	s23 =	sadd.s32 $0x280, s21;
	(ifvalue) =	ssetifvalue $0x7FFFFFFF  }
0xb0: {  	[tilespmem:s23], [sflag:$0x1] =	stream.indirect_vreg.gather [hbm4b:s2+s13], $0x1, v1, vm0, $0x4038;
	[tilespmem:$0x8400] =	vst v63  }
0xb1: {  	v1 =	vor.u32 $0x380, v0;
	(ifvalue) =	ssetifvalue $0x7FFFFFFF  }
0xb2: {  	s22 =	sor.u32 s20, s22;
	s23 =	sadd.s32 $0x300, s21;
	(ifvalue) =	ssetifvalue $0x7FFFFFFF  }
0xb3: {  	[tilespmem:s23], [sflag:$0x1] =	stream.indirect_vreg.gather [hbm4b:s2+s13], $0x1, v2, vm0, $0x4038;
	[tilespmem:$0x8400] =	vst v63  }
0xb4: {  	s22 =	sor.u32 $0x380, s22;
	v2 =	vadd.s32 $0x7A1400, v0;
	(ifvalue) =	ssetifvalue $0x7FFFFFFF  }
0xb5: {  	s22 =	sadd.s32 s22, s17;
	(ifvalue) =	ssetifvalue $0x7FFFFFFF  }
0xb6: {  	[tilespmem:s22], [sflag:$0x1] =	stream.indirect_vreg.gather [hbm4b:s2+s13], $0x1, v1, vm0, $0x4038;
	[tilespmem:$0x8400] =	vst v63  }
0xb7: {  	v1 =	vadd.s32 $0x7A1480, v0;
	(ifvalue) =	ssetifvalue $0x7FFFFFFF  }
0xb8: {  	s22 =	sadd.s32 $0x1000, s21;
	(ifvalue) =	ssetifvalue $0x7FFFFFFF  }
0xb9: {  	[tilespmem:s22], [sflag:$0x1] =	stream.indirect_vreg.gather [hbm4b:s2+s13], $0x1, v2, vm0, $0x4038;
	[tilespmem:$0x8400] =	vst v63  }
0xba: {  	v2 =	vadd.s32 $0x7A1500, v0;
	(ifvalue) =	ssetifvalue $0x7FFFFFFF  }
0xbb: {  	s22 =	sadd.s32 $0x1080, s21;
	(ifvalue) =	ssetifvalue $0x7FFFFFFF  }
0xbc: {  	[tilespmem:s22], [sflag:$0x1] =	stream.indirect_vreg.gather [hbm4b:s2+s13], $0x1, v1, vm0, $0x4038;
	[tilespmem:$0x8400] =	vst v63  }
0xbd: {  	v1 =	vadd.s32 $0x7A1580, v0;
	(ifvalue) =	ssetifvalue $0x7FFFFFFF  }
0xbe: {  	s22 =	sadd.s32 $0x1100, s21;
	(ifvalue) =	ssetifvalue $0x7FFFFFFF  }
0xbf: {  	[tilespmem:s22], [sflag:$0x1] =	stream.indirect_vreg.gather [hbm4b:s2+s13], $0x1, v2, vm0, $0x4038;
	[tilespmem:$0x8400] =	vst v63  }
0xc0: {  	v2 =	vadd.s32 $0x7A1600, v0;
	(ifvalue) =	ssetifvalue $0x7FFFFFFF  }
0xc1: {  	s22 =	sadd.s32 $0x1180, s21;
	(ifvalue) =	ssetifvalue $0x7FFFFFFF  }
0xc2: {  	[tilespmem:s22], [sflag:$0x1] =	stream.indirect_vreg.gather [hbm4b:s2+s13], $0x1, v1, vm0, $0x4038;
	[tilespmem:$0x8400] =	vst v63  }
0xc3: {  	v1 =	vadd.s32 $0x7A1680, v0;
	(ifvalue) =	ssetifvalue $0x7FFFFFFF  }
0xc4: {  	s22 =	sadd.s32 $0x1200, s21;
	(ifvalue) =	ssetifvalue $0x7FFFFFFF  }
0xc5: {  	[tilespmem:s22], [sflag:$0x1] =	stream.indirect_vreg.gather [hbm4b:s2+s13], $0x1, v2, vm0, $0x4038;
	[tilespmem:$0x8400] =	vst v63  }
0xc6: {  	v2 =	vadd.s32 $0x7A1700, v0;
	(ifvalue) =	ssetifvalue $0x7FFFFFFF  }
0xc7: {  	s22 =	sadd.s32 $0x1280, s21;
	(ifvalue) =	ssetifvalue $0x7FFFFFFF  }
0xc8: {  	[tilespmem:s22], [sflag:$0x1] =	stream.indirect_vreg.gather [hbm4b:s2+s13], $0x1, v1, vm0, $0x4038;
	[tilespmem:$0x8400] =	vst v63  }
0xc9: {  	v1 =	vadd.s32 $0x7A1780, v0;
	(ifvalue) =	ssetifvalue $0x7FFFFFFF  }
0xca: {  	s22 =	sadd.s32 $0x1300, s21;
	(ifvalue) =	ssetifvalue $0x7FFFFFFF  }
0xcb: {  	[tilespmem:s22], [sflag:$0x1] =	stream.indirect_vreg.gather [hbm4b:s2+s13], $0x1, v2, vm0, $0x4038;
	[tilespmem:$0x8400] =	vst v63  }
0xcc: {  	v2 =	vadd.s32 $0xF42800, v0;
	(ifvalue) =	ssetifvalue $0x7FFFFFFF  }
0xcd: {  	s22 =	sadd.s32 $0x1380, s21;
	(ifvalue) =	ssetifvalue $0x7FFFFFFF  }
0xce: {  	[tilespmem:s22], [sflag:$0x1] =	stream.indirect_vreg.gather [hbm4b:s2+s13], $0x1, v1, vm0, $0x4038;
	[tilespmem:$0x8400] =	vst v63  }
0xcf: {  	v1 =	vadd.s32 $0xF42880, v0;
	(ifvalue) =	ssetifvalue $0x7FFFFFFF  }
0xd0: {  	s22 =	sadd.s32 $0x2000, s21;
	(ifvalue) =	ssetifvalue $0x7FFFFFFF  }
0xd1: {  	[tilespmem:s22], [sflag:$0x1] =	stream.indirect_vreg.gather [hbm4b:s2+s13], $0x1, v2, vm0, $0x4038;
	[tilespmem:$0x8400] =	vst v63  }
0xd2: {  	v2 =	vadd.s32 $0xF42900, v0;
	(ifvalue) =	ssetifvalue $0x7FFFFFFF  }
0xd3: {  	s22 =	sadd.s32 $0x2080, s21;
	(ifvalue) =	ssetifvalue $0x7FFFFFFF  }
0xd4: {  	[tilespmem:s22], [sflag:$0x1] =	stream.indirect_vreg.gather [hbm4b:s2+s13], $0x1, v1, vm0, $0x4038;
	[tilespmem:$0x8400] =	vst v63  }
0xd5: {  	v1 =	vadd.s32 $0xF42980, v0;
	(ifvalue) =	ssetifvalue $0x7FFFFFFF  }
0xd6: {  	s22 =	sadd.s32 $0x2100, s21;
	(ifvalue) =	ssetifvalue $0x7FFFFFFF  }
0xd7: {  	[tilespmem:s22], [sflag:$0x1] =	stream.indirect_vreg.gather [hbm4b:s2+s13], $0x1, v2, vm0, $0x4038;
	[tilespmem:$0x8400] =	vst v63  }
0xd8: {  	v2 =	vadd.s32 $0xF42A00, v0;
	(ifvalue) =	ssetifvalue $0x7FFFFFFF  }
0xd9: {  	s22 =	sadd.s32 $0x2180, s21;
	(ifvalue) =	ssetifvalue $0x7FFFFFFF  }
0xda: {  	[tilespmem:s22], [sflag:$0x1] =	stream.indirect_vreg.gather [hbm4b:s2+s13], $0x1, v1, vm0, $0x4038;
	[tilespmem:$0x8400] =	vst v63  }
0xdb: {  	v1 =	vadd.s32 $0xF42A80, v0;
	(ifvalue) =	ssetifvalue $0x7FFFFFFF  }
0xdc: {  	s22 =	sadd.s32 $0x2200, s21;
	(ifvalue) =	ssetifvalue $0x7FFFFFFF  }
0xdd: {  	[tilespmem:s22], [sflag:$0x1] =	stream.indirect_vreg.gather [hbm4b:s2+s13], $0x1, v2, vm0, $0x4038;
	[tilespmem:$0x8400] =	vst v63  }
0xde: {  	v2 =	vadd.s32 $0xF42B00, v0;
	(ifvalue) =	ssetifvalue $0x7FFFFFFF  }
0xdf: {  	s22 =	sadd.s32 $0x2280, s21;
	(ifvalue) =	ssetifvalue $0x7FFFFFFF  }
0xe0: {  	[tilespmem:s22], [sflag:$0x1] =	stream.indirect_vreg.gather [hbm4b:s2+s13], $0x1, v1, vm0, $0x4038;
	[tilespmem:$0x8400] =	vst v63  }
0xe1: {  	v1 =	vadd.s32 $0xF42B80, v0;
	(ifvalue) =	ssetifvalue $0x7FFFFFFF  }
0xe2: {  	s22 =	sadd.s32 $0x2300, s21;
	(ifvalue) =	ssetifvalue $0x7FFFFFFF  }
0xe3: {  	[tilespmem:s22], [sflag:$0x1] =	stream.indirect_vreg.gather [hbm4b:s2+s13], $0x1, v2, vm0, $0x4038;
	[tilespmem:$0x8400] =	vst v63  }
0xe4: {  	v2 =	vadd.s32 $0x16E3C00, v0;
	(ifvalue) =	ssetifvalue $0x7FFFFFFF  }
0xe5: {  	s22 =	sadd.s32 $0x2380, s21;
	(ifvalue) =	ssetifvalue $0x7FFFFFFF  }
0xe6: {  	[tilespmem:s22], [sflag:$0x1] =	stream.indirect_vreg.gather [hbm4b:s2+s13], $0x1, v1, vm0, $0x4038;
	[tilespmem:$0x8400] =	vst v63  }
0xe7: {  	v1 =	vadd.s32 $0x16E3C80, v0;
	(ifvalue) =	ssetifvalue $0x7FFFFFFF  }
0xe8: {  	s22 =	sadd.s32 $0x3000, s21;
	(ifvalue) =	ssetifvalue $0x7FFFFFFF  }
0xe9: {  	[tilespmem:s22], [sflag:$0x1] =	stream.indirect_vreg.gather [hbm4b:s2+s13], $0x1, v2, vm0, $0x4038;
	[tilespmem:$0x8400] =	vst v63  }
0xea: {  	v2 =	vadd.s32 $0x16E3D00, v0;
	(ifvalue) =	ssetifvalue $0x7FFFFFFF  }
0xeb: {  	s22 =	sadd.s32 $0x3080, s21;
	(ifvalue) =	ssetifvalue $0x7FFFFFFF  }
0xec: {  	[tilespmem:s22], [sflag:$0x1] =	stream.indirect_vreg.gather [hbm4b:s2+s13], $0x1, v1, vm0, $0x4038;
	[tilespmem:$0x8400] =	vst v63  }
0xed: {  	v1 =	vadd.s32 $0x16E3D80, v0;
	(ifvalue) =	ssetifvalue $0x7FFFFFFF  }
0xee: {  	s22 =	sadd.s32 $0x3100, s21;
	(ifvalue) =	ssetifvalue $0x7FFFFFFF  }
0xef: {  	[tilespmem:s22], [sflag:$0x1] =	stream.indirect_vreg.gather [hbm4b:s2+s13], $0x1, v2, vm0, $0x4038;
	[tilespmem:$0x8400] =	vst v63  }
0xf0: {  	v2 =	vadd.s32 $0x16E3E00, v0;
	(ifvalue) =	ssetifvalue $0x7FFFFFFF  }
0xf1: {  	s22 =	sadd.s32 $0x3180, s21;
	(ifvalue) =	ssetifvalue $0x7FFFFFFF  }
0xf2: {  	[tilespmem:s22], [sflag:$0x1] =	stream.indirect_vreg.gather [hbm4b:s2+s13], $0x1, v1, vm0, $0x4038;
	[tilespmem:$0x8400] =	vst v63  }
0xf3: {  	v1 =	vadd.s32 $0x16E3E80, v0;
	(ifvalue) =	ssetifvalue $0x7FFFFFFF  }
0xf4: {  	s22 =	sadd.s32 $0x3200, s21;
	(ifvalue) =	ssetifvalue $0x7FFFFFFF  }
0xf5: {  	[tilespmem:s22], [sflag:$0x1] =	stream.indirect_vreg.gather [hbm4b:s2+s13], $0x1, v2, vm0, $0x4038;
	[tilespmem:$0x8400] =	vst v63  }
0xf6: {  	v2 =	vadd.s32 $0x16E3F00, v0;
	(ifvalue) =	ssetifvalue $0x7FFFFFFF  }
0xf7: {  	s22 =	sadd.s32 $0x3280, s21;
	(ifvalue) =	ssetifvalue $0x7FFFFFFF  }
0xf8: {  	[tilespmem:s22], [sflag:$0x1] =	stream.indirect_vreg.gather [hbm4b:s2+s13], $0x1, v1, vm0, $0x4038;
	[tilespmem:$0x8400] =	vst v63  }
.Ltmp3:
0xf9: {  	v0 =	vadd.s32 $0x16E3F80, v0;
	(ifvalue) =	ssetifvalue $0x7FFFFFFF;
	(pc) =	sbr.rel @p1 .LBB2_3-.Ltmp3, $4  }
0xfa: {  	s22 =	sadd.s32 $0x3300, s21;
	(ifvalue) =	ssetifvalue $0x7FFFFFFF  }
0xfb: {  	[tilespmem:s22], [sflag:$0x1] =	stream.indirect_vreg.gather [hbm4b:s2+s13], $0x1, v2, vm0, $0x4038;
	[tilespmem:$0x8400] =	vst v63  }
0xfc: {  	s19 =	sadd.s32 $0x10, s19;
	(ifvalue) =	ssetifvalue $0x7FFFFFFF  }
0xfd: {  	s20 =	sadd.s32 $0x80, s20;
	s21 =	sadd.s32 $0x3380, s21;
	(ifvalue) =	ssetifvalue $0x7FFFFFFF  }
.Ltmp4:
0xfe: {  	_ = 	snop;
	(pc) =	sbr.rel .LBB2_4-.Ltmp4, $1  }
0xff: {  	_ =	sdelay $0x3  }
.LBB2_6:
0x100: {  	_ =	sfence.sel $0x180000  }
0x101: {  	s2 =	simm.s32 $0x2;
	[bflag:$0x0] =	sbarrier.arrive $0xFFFF  }
0x102: {  	s30 =	simm.s32 $0x3;
	[sflag:s2] =	ssyncpa.u1 $0x1  }
0x103: {  	s31 =	simm.s32 $0x1;
	[sflag:s30] =	ssyncpa.u1 $0x1  }
0x104: {  	[sflag:s31] =	ssyncpa.u1 $0x1  }
0x105: {  	p0 =	sne.s32 s0, $0x0;
	_ =	strace $0x9000004D  }
0x106: {  	s0 =	sadd.s32 @!p0 $0x100000, s1;
	[bflag:$0x2] =	sbarrier.arrive $0xFFFF  }
0x107: {  	[sflag:s0] =	ssyncadd.tile.s32 @!p0 $0x1;
	_ =	shalt  }
.Lfunc_end2:
_tile_overlayer_lowered:
.L_overlay_start_2:
0x108: {  	(tag) =	ssettag $0x2  }
0x109: {  	s0 =	rddreg [dreg:$0x0];
	s2 =	stileid.u32  }
0x10a: {  	s1 =	rddreg [dreg:$0x1];
	p0 =	sne.s32 s2, $0x0  }
0x10b: {  	s3 =	rddreg [dreg:$0x2];
	[bflag:$0x3] =	sbarrier.arrive $0xFFFF;
	s2 =	simm.s32 @!p0 $0x1C01  }
0x10c: {  	[timem:s3], [sflag:s2] =	dma.local @!p0 [hbm:s0], s1  }
0x10d: {  	s0 =	simm.s32 @!p0 $0x1  }
0x10e: {  	_ =	swait.ge @!p0 [sflag:s0], s1  }
0x10f: {  	s1 =	ssub.s32 @!p0 $0x0, s1;
	[sflag:s0] =	ssyncset.done @!p0 $0x0  }
0x110: {  	[sflag:s0] =	ssyncadd.s32 @!p0 s1  }
0x111: {  	[bflag:$0x3] =	sbarrier.arrive $0xFFFF  }
0x112: {  	_ =	shalt  }

// kernel: gather_offload_async_start
scs
__scs_entry_jumppad:
0x0: {  	(pc) =	sbr.rel $0x88, $3  }
0x1: {  	(tag) =	ssettag $0x0;
	lr =	simm.s32 $0x1  }
0x2: {  	[smem:$0x3F93] =	sst lr;
	_ =	strace $0xD0000000  }
0x3: {  	_ = 	snop  }
0x4: {  	_ = 	snop  }
0x5: {  	_ = 	snop  }
0x6: {  	_ = 	snop  }
0x7: {  	_ = 	snop  }
__scs_overlays_trampoline_lowered:
0x8: {  	[smem:$0x3FA2] =	sst s0  }
0x9: {  	[smem:$0x3FA3] =	sst s1  }
0xa: {  	[smem:$0x3FA4] =	sst s2  }
0xb: {  	[smem:$0x3FA5] =	sst s3  }
0xc: {  	[smem:$0x3FA6] =	sst s4  }
0xd: {  	[smem:$0x3FA7] =	sst s5  }
0xe: {  	[smem:$0x3FA8] =	sst s6  }
0xf: {  	[smem:$0x3FA9] =	sst s7  }
0x10: {  	[smem:$0x3FAA] =	sst s8  }
0x11: {  	[smem:$0x3FAB] =	sst s9;
	s0 =	simm.s32 @!p0 $0x0  }
0x12: {  	s1 =	sld [smem:$0x3F91];
	s0 =	simm.s32 @p0 $0x1  }
0x13: {  	[smem:$0x3FAC] =	sst s0;
	s0 =	simm.s32 @!p1 $0x0  }
0x14: {  	s2 =	sld [smem:$0x3F90];
	s0 =	simm.s32 @p1 $0x1  }
0x15: {  	[smem:$0x3FAD] =	sst s0;
	s0 =	simm.s32 @!p2 $0x0  }
0x16: {  	s3 =	sld [smem:$0x3FDB];
	s0 =	simm.s32 @p2 $0x1  }
0x17: {  	s4 =	simm.s32 $0x1BF5;
	[smem:$0x3FAF] =	sst s0  }
0x18: {  	s0 =	sld [smem:$0x3F92];
	_ =	swait.ge [sflag:s4], $0x0  }
0x19: {  	s7 =	sld [smem:$0x3F93]  }
0x1a: {  	s8 =	sadd.s32 $0xFFFFE003, lr  }
0x1b: {  	s9 =	sadd.s32 $0xFFFFFEF7, lr;
	s5 =	simm.s32 $0xFFFFFFFF;
	p2 =	slt.u32 s8, $0xFFFFF086  }
0x1c: {  	p1 =	slt.u32 s9, $0xF7A;
	s5 =	simm.s32 @!p2 $0x0  }
0x1d: {  	s5 =	simm.s32 @p1 $0x1;
	p0 =	seq.s32 s7, s2  }
0x1e: {  	s7 =	smul.u32 @!p0 $0xF7A, s2;
	p2 =	seq.s32 @!p0 s5, $0x0  }
0x1f: {  	s9 =	smul.u32 $0xF7A, s1;
	s8 =	simm.s32 @!p0 $0x1BF5;
	p2 =	por !p2, p0  }
0x20: {  	[sflag:s8] =	ssyncset.s32 @!p0 $0xFFFFF086;
	s6 =	sadd.s32 @!p0 s3, s7;
	s7 =	simm.s32 @!p0 $0x108  }
0x21: {  	s3 =	sadd.s32 s3, s9;
	s6 =	sadd.s32 @!p0 $0x88, s6;
	s7 =	simm.s32 @p2 $0x1082  }
0x22: {  	[simem:s7], [sflag:s8] =	dma.local @!p0 [hbm:s6], $0xF7A  }
0x23: {  	s9 =	sor.u32 $0xD0000000, s2;
	s6 =	simm.s32 $0x108;
	_ =	swait.ge @!p0 [sflag:s8], $0x0  }
0x24: {  	s3 =	sadd.s32 $0x88, s3;
	s6 =	simm.s32 @!p1 $0x1082;
	[sflag:s4] =	ssyncset.s32 $0xFFFFF086  }
0x25: {  	[simem:s6], [sflag:s4] =	dma.local [hbm:s3], $0xF7A  }
0x26: {  	[smem:$0x3F93] =	sst s1;
	(tag) =	ssettag s2;
	_ =	strace s9  }
0x27: {  	s1 =	sld [smem:$0x3FA3]  }
0x28: {  	s2 =	sld [smem:$0x3FA4]  }
0x29: {  	s4 =	sld [smem:$0x3FA6]  }
0x2a: {  	p0 =	seq.s32 s5, $0x0;
	s5 =	sld [smem:$0x3FA7]  }
0x2b: {  	s6 =	sld [smem:$0x3FA8]  }
0x2c: {  	s7 =	sld [smem:$0x3FA9]  }
0x2d: {  	s3 =	simm.s32 $0x108;
	s8 =	sld [smem:$0x3FAA]  }
0x2e: {  	s3 =	simm.s32 @!p0 $0x1082;
	s9 =	sld [smem:$0x3FAB]  }
0x2f: {  	lr =	sadd.s32 s0, s3;
	s0 =	sld [smem:$0x3FA2]  }
0x30: {  	s3 =	sld [smem:$0x3FA5]  }
0x31: {  	[smem:$0x3FAE] =	sst s10  }
0x32: {  	s10 =	sld [smem:$0x3FAC];
	_ =	sdelay $0x3  }
0x33: {  	p0 =	seq.s32 s10, $0x1;
	s10 =	sld [smem:$0x3FAE];
	_ =	sdelay $0x3  }
0x34: {  	[smem:$0x3FAE] =	sst s10  }
0x35: {  	s10 =	sld [smem:$0x3FAD];
	_ =	sdelay $0x3  }
0x36: {  	p1 =	seq.s32 s10, $0x1;
	s10 =	sld [smem:$0x3FAE];
	_ =	sdelay $0x3  }
0x37: {  	[smem:$0x3FAE] =	sst s10  }
0x38: {  	s10 =	sld [smem:$0x3FAF]  }
0x39: {  	_ = 	snop;
	(pc) =	sbr.ind lr, $3  }
0x3a: {  	_ = 	snop  }
0x3b: {  	_ = 	snop  }
0x3c: {  	p2 =	seq.s32 s10, $0x1;
	s10 =	sld [smem:$0x3FAE]  }
0x3d: {  	_ =	shalt  }
0x3e: {  	_ =	shalt  }
0x3f: {  	_ =	shalt  }
0x40: {  	_ =	shalt  }
0x41: {  	_ =	shalt  }
0x42: {  	_ =	shalt  }
0x43: {  	_ =	shalt  }
0x44: {  	_ =	shalt  }
0x45: {  	_ =	shalt  }
0x46: {  	_ =	shalt  }
0x47: {  	_ =	shalt  }
0x48: {  	_ =	shalt  }
0x49: {  	_ =	shalt  }
0x4a: {  	_ =	shalt  }
0x4b: {  	_ =	shalt  }
0x4c: {  	_ =	shalt  }
0x4d: {  	_ =	shalt  }
0x4e: {  	_ =	shalt  }
0x4f: {  	_ =	shalt  }
0x50: {  	_ =	shalt  }
0x51: {  	_ =	shalt  }
0x52: {  	_ =	shalt  }
0x53: {  	_ =	shalt  }
0x54: {  	_ =	shalt  }
0x55: {  	_ =	shalt  }
0x56: {  	_ =	shalt  }
0x57: {  	_ =	shalt  }
0x58: {  	_ =	shalt  }
0x59: {  	_ =	shalt  }
0x5a: {  	_ =	shalt  }
0x5b: {  	_ =	shalt  }
0x5c: {  	_ =	shalt  }
0x5d: {  	_ =	shalt  }
0x5e: {  	_ =	shalt  }
0x5f: {  	_ =	shalt  }
0x60: {  	_ =	shalt  }
0x61: {  	_ =	shalt  }
0x62: {  	_ =	shalt  }
0x63: {  	_ =	shalt  }
0x64: {  	_ =	shalt  }
0x65: {  	_ =	shalt  }
0x66: {  	_ =	shalt  }
0x67: {  	_ =	shalt  }
0x68: {  	_ =	shalt  }
0x69: {  	_ =	shalt  }
0x6a: {  	_ =	shalt  }
0x6b: {  	_ =	shalt  }
0x6c: {  	_ =	shalt  }
0x6d: {  	_ =	shalt  }
0x6e: {  	_ =	shalt  }
0x6f: {  	_ =	shalt  }
0x70: {  	_ =	shalt  }
0x71: {  	_ =	shalt  }
0x72: {  	_ =	shalt  }
0x73: {  	_ =	shalt  }
0x74: {  	_ =	shalt  }
0x75: {  	_ =	shalt  }
0x76: {  	_ =	shalt  }
0x77: {  	_ =	shalt  }
0x78: {  	_ =	shalt  }
0x79: {  	_ =	shalt  }
0x7a: {  	_ =	shalt  }
0x7b: {  	_ =	shalt  }
0x7c: {  	_ =	shalt  }
0x7d: {  	_ =	shalt  }
0x7e: {  	_ =	shalt  }
0x7f: {  	_ =	shalt  }
0x80: {  	_ =	shalt  }
0x81: {  	_ =	shalt  }
0x82: {  	_ =	shalt  }
0x83: {  	_ =	shalt  }
0x84: {  	_ =	shalt  }
0x85: {  	_ =	shalt  }
0x86: {  	_ =	shalt  }
0x87: {  	_ =	shalt  }
.Lfunc_end0:
.L_simem_size_0:
called_computation_lowered:
.L_overlay_start_0:
0x88: {  	s2 =	sld [smem:$0x3FD9]  }
0x89: {  	s3 =	sld [smem:$0x3FFE];
	_ =	sdelay $0x1  }
0x8a: {  	s1 =	srdreg.scid  }
0x8b: {  	s0 =	sand.u32 $0x1, s1  }
0x8c: {  	s17 =	sshll.u32 s0, $0xA;
	s2 =	sadd.s32 s3, s2  }
0x8d: {  	s2 =	sadd.s32 s2, s17  }
0x8e: {  	[smem:$0x3FBA] =	sst s2  }
0x8f: {  	_ = 	snop  }
0x90: {  	s2 =	sld [smem:$0x3FC7]  }
0x91: {  	s18 =	sld [smem:$0x3FD0];
	(tm) =	ssettm $0x1  }
0x92: {  	s4 =	sld [smem:$0x3FFB];
	_ =	sdelay $0x3  }
0x93: {  	_ =	strace s4  }
0x94: {  	s4 =	sld [smem:$0x3FFC];
	_ =	sdelay $0x3  }
0x95: {  	_ =	strace s4  }
0x96: {  	s4 =	sld [smem:$0x3FFD];
	_ =	sdelay $0x3  }
0x97: {  	_ =	strace s4  }
0x98: {  	_ =	strace $0x8FFFFFFF  }
0x99: {  	s19 =	sld [smem:$0x3FDB];
	_ =	sdelay $0x1  }
0x9a: {  	s5 =	simm.s32 $_scs_section_size  }
0x9b: {  	s6 =	simm.s32 $_size__tile_overlayer_lowered;
	s7 =	simm.s32 $_tile_overlayer_lowered  }
0x9c: {  	s22 =	simm.s32 $0x1BFF;
	s21 =	sshll.u32 s7, $0x1;
	s4 =	sadd.s32 s5, s19  }
0x9d: {  	s8 =	simm.s32 $0x0;
	s20 =	sshll.u32 s6, $0x1;
	s6 =	sadd.s32 s21, s4  }
0x9e: {  	[timem:s8], [sflag:s22] =	dma.local [hbm:s6], s20  }
0x9f: {  	_ =	swait.ge [sflag:s22], s20  }
0xa0: {  	s5 =	ssub.s32 $0x0, s20;
	[sflag:s22] =	ssyncset.done $0x0  }
0xa1: {  	[sflag:s22] =	ssyncadd.s32 s5;
	_ =	sdelay $0x1  }
0xa2: {  	s23 =	simm.s32 $0x1B8B  }
0xa3: {  	_ =	swait.ge [sflag:s23], $0x1  }
0xa4: {  	[sflag:s23] =	ssyncset.done $0x0  }
0xa5: {  	s25 =	simm.s32 $0x1B8E;
	s24 =	sld [smem:$0x3FFE];
	[sflag:s23] =	ssyncadd.s32 $0xFFFFFFFF  }
0xa6: {  	s26 =	simm.s32 $execute0_lowered;
	[smem:$0x3FD2] =	sst s25  }
0xa7: {  	s6 =	sshll.u32 s26, $0x1;
	_ =	strace $0x80000049;
	[dreg:$0x1] =	wrdreg $0xFFFFFFFF  }
0xa8: {  	s28 =	simm.s32 $_size_execute0_lowered;
	s4 =	sadd.s32 s4, s6;
	[dreg:$0x0] =	wrdreg $0x0  }
0xa9: {  	s6 =	sshll.u32 s28, $0x1;
	[dreg:$0x2] =	wrdreg s4  }
0xaa: {  	[dreg:$0x3] =	wrdreg s6  }
0xab: {  	[dreg:$0x4] =	wrdreg $0xC0  }
0xac: {  	_ =	task [dreg:s8], $0x5FFFF  }
0xad: {  	[dreg:$0x1] =	wrdreg $0xFFFFFFFF  }
0xae: {  	[dreg:$0x0] =	wrdreg $0x60  }
0xaf: {  	[dreg:$0x2] =	wrdreg s2  }
0xb0: {  	[dreg:$0x3] =	wrdreg s18  }
0xb1: {  	[dreg:$0x4] =	wrdreg s24  }
0xb2: {  	[dreg:$0x5] =	wrdreg $0x9  }
0xb3: {  	_ =	task.clear_ibuf [dreg:s8], $0x6FFFF;
	_ =	strace $0x90000049  }
0xb4: {  	s29 =	simm.s32 $0x9;
	_ =	strace $0x8000004B  }
0xb5: {  	_ =	swait.ge [sflag:s29], $0x1  }
0xb6: {  	[sflag:s29] =	ssyncadd.s32 $0xFFFFFFFF  }
0xb7: {  	_ =	strace $0x9000004B  }
0xb8: {  	_ =	sfence  }
0xb9: {  	s30 =	sld [smem:$0x0];
	_ =	sdelay $0x2  }
0xba: {  	s31 =	sshll.u32 s1, $0xD;
	s1 =	sshrl.u32 s1, $0x2  }
0xbb: {  	s3 =	sand.u32 $0x4000, s31;
	s1 =	sadd.s32 s1, s30  }
0xbc: {  	s0 =	sor.u32 s3, s0;
	s1 =	sshll.u32 s1, $0x11  }
0xbd: {  	s0 =	sor.u32 s1, s0  }
0xbe: {  	s0 =	sadd.s32 $0x8F2B, s0  }
0xbf: {  	[sflag:s0] =	ssyncadd.remote.s32 $0x1  }
0xc0: {  	_ =	sfence.sel $0xFFFF  }
0xc1: {  	[dreg:$0x0] =	wrdreg $0xFFFFFFFF;
	(pc) =	sbr.abs _section_cstart, $3  }
0xc2: {  	[dreg:$0x1] =	wrdreg $0xFFFFFFFF  }
0xc3: {  	_ =	task.clear_ibuf [dreg:s8], $0x2FFFF;
	_ =	strace $0x9FFFFFFF  }
0xc4: {  	(tm) =	ssettm $0x7FFFFFFF  }
0xc5: {  	_ =	shalt  }
tec
execute0_lowered:
.L_overlay_start_1:
0x0: {  	(tag) =	ssettag $0x1  }
0x1: {  	s2 =	rddreg [dreg:$0x0]  }
0x2: {  	s8 =	rddreg [dreg:$0x1];
	s0 =	srdreg.scid  }
0x3: {  	s11 =	rddreg [dreg:$0x2];
	s1 =	stileid.u32;
	s5 =	simm.s32 $0x1  }
0x4: {  	s6 =	simm.s32 $0x2;
	s10 =	simm.s32 $0x3;
	s13 =	simm.s32 $0x0  }
0x5: {  	s15 =	simm.s32 $0x0;
	s3 =	sshll.u32 s0, $0x9;
	s0 =	rddreg [dreg:$0x3]  }
0x6: {  	s4 =	sshll.u32 s1, $0xA;
	_ =	strace $0x8000004A;
	s3 =	sand.u32 $0x200, s3  }
0x7: {  	s14 =	simm.s32 $0x0;
	[sflag:s5] =	ssyncpa.u1 $0x0;
	s3 =	sor.u32 s4, s3  }
0x8: {  	s4 =	sadd.s32 $0x83800, s11;
	[sflag:s6] =	ssyncpa.u1 $0x0;
	s7 =	ssub.s32 $0x4000, s3  }
.Ltmp0:
0x9: {  	[sflag:s10] =	ssyncpa.u1 $0x0;
	s9 =	sand.u32 $0x3E00, s7;
	(pc) =	sbr.rel .LBB2_1-.Ltmp0, $4  }
0xa: {  	s31 =	sshrl.u32 s3, $0x3;
	p0 =	sne.s32 s9, $0x0;
	s9 =	simm.s32 $0x1  }
0xb: {  	s10 =	sadd.s32 $0x8B800, s11;
	s7 =	sshrl.u32 s7, $0xE;
	s9 =	simm.s32 @!p0 $0x0  }
0xc: {  	s8 =	sadd.s32 s8, s31;
	p0 =	por $0x0, $0x0;
	s7 =	sadd.s32 s9, s7  }
0xd: {  	vm0 =	vmmov $0xffff;
	s9 =	sadd.s32 $0x87800, s11;
	s11 =	sadd.s32 $0x8F800, s11;
	s12 =	sadd.s32 $0x1, s7  }
.LBB2_4:
0xe: {  	_ =	sdelay $0x3  }
0xf: {  	[tilespmem:s21], [sflag:$0x1] =	stream.indirect_vreg.gather [hbm4b:s2+s13], $0x1, v0, vm0, $0x4038;
	[tilespmem:$0x8400] =	vst v63  }
0x10: {  	s18 =	sshll.u32 s15, $0x3  }
0x11: {  	s24 =	sand.u32 $0x78, s15;
	s18 =	sand.u32 $0x7FFFFC00, s18  }
0x12: {  	_ =	swait.ge [sflag:s5], $0x4000;
	s15 =	sor.u32 s24, s18  }
0x13: {  	[sflag:s5] =	ssyncset.done $0x0;
	s15 =	sshrl.u32 s15, $0x3  }
0x14: {  	[sflag:s5] =	ssyncadd.s32 $0xFFFFC000;
	s25 =	sadd.s32 s4, s15  }
0x15: {  	[hbm:s25] =	stream.linear.scatter [tilespmem:s17], [sflag:$0x3], $0x1000, $0x38;
	[tilespmem:$0x8400] =	vst v63  }
0x16: {  	s26 =	sadd.s32 $0x1400, s16;
	s28 =	sadd.s32 s15, s9  }
0x17: {  	[hbm:s28] =	stream.linear.scatter [tilespmem:s26], [sflag:$0x3], $0x1000, $0x38;
	[tilespmem:$0x8400] =	vst v63  }
0x18: {  	s29 =	sadd.s32 $0x2400, s16;
	s30 =	sadd.s32 s15, s10  }
0x19: {  	[hbm:s30] =	stream.linear.scatter [tilespmem:s29], [sflag:$0x3], $0x1000, $0x38;
	[tilespmem:$0x8400] =	vst v63  }
0x1a: {  	s31 =	sadd.s32 $0x3400, s16;
	s15 =	sadd.s32 s15, s11  }
0x1b: {  	[hbm:s15] =	stream.linear.scatter [tilespmem:s31], [sflag:$0x3], $0x1000, $0x38;
	[tilespmem:$0x8400] =	vst v63  }
.LBB2_5:
0x1c: {  	p2 =	sne.s32 s14, s12  }
.Ltmp1:
0x1d: {  	p1 =	slt.u32 s14, $0x2;
	(pc) =	sbr.rel @!p2 .LBB2_6-.Ltmp1, $4  }
0x1e: {  	s15 =	simm.s32 @!p1 $0x3  }
0x1f: {  	_ =	swait.ge @!p1 [sflag:s15], $0x4000  }
0x20: {  	s16 =	sadd.s32 $0x1, s14;
	p0 =	por !p0, !p0;
	[sflag:s15] =	ssyncset.done @!p1 $0x0  }
0x21: {  	s14 =	smov.u32 s16;
	[sflag:s15] =	ssyncadd.s32 @!p1 $0xFFFFC000;
	s15 =	smov.u32 s3  }
.LBB2_1:
0x22: {  	p1 =	sge.u32 s14, s7  }
0x23: {  	s16 =	sxor.u32 @!p1 $0xFFFFFFFF, s14  }
0x24: {  	s16 =	sshll.u32 @!p1 s16, $0x9  }
0x25: {  	s31 =	sadd.s32 $0xFFFFFFFF, s14;
	s17 =	simm.s32 @!p1 $0x0;
	s16 =	sand.u32 @!p1 $0x200, s16  }
0x26: {  	[tilespmem:s16], [sflag:$0x2] =	stream.linear.gather @!p1 [hbm4b:s8+s17], $0x200, $0x38;
	[tilespmem:$0x8400] =	vst v63  }
0x27: {  	p1 =	sge.u32 s31, s7  }
.Ltmp2:
0x28: {  	_ = 	snop;
	(pc) =	sbr.rel @p1 .LBB2_5-.Ltmp2, $1  }
0x29: {  	_ =	sdelay $0x3  }
0x2a: {  	s16 =	simm.s32 $0x1;
	_ =	swait.ge [sflag:s6], $0x200  }
0x2b: {  	s16 =	simm.s32 @!p0 $0x0;
	[sflag:s6] =	ssyncset.done $0x0  }
0x2c: {  	s19 =	sshll.u32 s16, $0x9;
	[sflag:s6] =	ssyncadd.s32 $0xFFFFFE00  }
0x2d: {  	v0 =	vld.msk [tilespmem:s19+$0x0 ss:$0x1], $0xffff;
	_ =	sdelay $0x4  }
0x2e: {  	vm1 =	vgt.s32 v0, $0x0  }
0x2f: {  	v0 =	vnsel vm1, $0x0, v0  }
0x30: {  	v0 =	vmin.u32 v0, $0xF423F  }
0x31: {  	v1 =	vshll.u32 v0, $0x3  }
0x32: {  	v0 =	vand.u32 $0x7F, v0;
	v1 =	vand.u32 $0x7FFC00, v1  }
0x33: {  	s22 =	sshll.u32 s14, $0xE;
	v0 =	vor.u32 v0, v1  }
0x34: {  	s18 =	simm.s32 $0x0;
	s16 =	sand.u32 $0x4000, s22  }
0x35: {  	s20 =	sand.u32 $0xC00, s18;
	s17 =	sor.u32 $0x400, s16  }
0x36: {  	s21 =	sand.u32 $0x70, s18;
	(ifvalue) =	ssetifvalue $0x7FFFFFFF;
	s20 =	sadd.s32 s20, s17;
	v1 =	vor.u32 $0x80, v0  }
0x37: {  	(ifvalue) =	ssetifvalue $0x7FFFFFFF;
	s20 =	sadd.s32 s21, s20  }
0x38: {  	[tilespmem:s20], [sflag:$0x1] =	stream.indirect_vreg.gather [hbm4b:s2+s13], $0x1, v0, vm0, $0x4038;
	[tilespmem:$0x8400] =	vst v63  }
0x39: {  	v2 =	vor.u32 $0x100, v0;
	(ifvalue) =	ssetifvalue $0x7FFFFFFF  }
0x3a: {  	s21 =	sadd.s32 $0x80, s20;
	(ifvalue) =	ssetifvalue $0x7FFFFFFF  }
0x3b: {  	[tilespmem:s21], [sflag:$0x1] =	stream.indirect_vreg.gather [hbm4b:s2+s13], $0x1, v1, vm0, $0x4038;
	[tilespmem:$0x8400] =	vst v63  }
0x3c: {  	v1 =	vor.u32 $0x180, v0;
	(ifvalue) =	ssetifvalue $0x7FFFFFFF  }
0x3d: {  	s23 =	sadd.s32 $0x100, s20;
	(ifvalue) =	ssetifvalue $0x7FFFFFFF  }
0x3e: {  	[tilespmem:s23], [sflag:$0x1] =	stream.indirect_vreg.gather [hbm4b:s2+s13], $0x1, v2, vm0, $0x4038;
	[tilespmem:$0x8400] =	vst v63  }
0x3f: {  	v2 =	vor.u32 $0x200, v0;
	(ifvalue) =	ssetifvalue $0x7FFFFFFF  }
0x40: {  	s24 =	sadd.s32 $0x180, s20;
	(ifvalue) =	ssetifvalue $0x7FFFFFFF  }
0x41: {  	[tilespmem:s24], [sflag:$0x1] =	stream.indirect_vreg.gather [hbm4b:s2+s13], $0x1, v1, vm0, $0x4038;
	[tilespmem:$0x8400] =	vst v63  }
0x42: {  	(ifvalue) =	ssetifvalue $0x7FFFFFFF;
	v1 =	vor.u32 $0x280, v0  }
0x43: {  	s25 =	sadd.s32 $0x200, s20;
	(ifvalue) =	ssetifvalue $0x7FFFFFFF  }
0x44: {  	[tilespmem:s25], [sflag:$0x1] =	stream.indirect_vreg.gather [hbm4b:s2+s13], $0x1, v2, vm0, $0x4038;
	[tilespmem:$0x8400] =	vst v63  }
0x45: {  	(ifvalue) =	ssetifvalue $0x7FFFFFFF;
	v2 =	vor.u32 $0x300, v0  }
0x46: {  	s26 =	sadd.s32 $0x280, s20;
	(ifvalue) =	ssetifvalue $0x7FFFFFFF  }
0x47: {  	[tilespmem:s26], [sflag:$0x1] =	stream.indirect_vreg.gather [hbm4b:s2+s13], $0x1, v1, vm0, $0x4038;
	[tilespmem:$0x8400] =	vst v63  }
0x48: {  	(ifvalue) =	ssetifvalue $0x7FFFFFFF;
	v1 =	vor.u32 $0x380, v0  }
0x49: {  	s18 =	sor.u32 s18, s18;
	s28 =	sadd.s32 $0x300, s20;
	(ifvalue) =	ssetifvalue $0x7FFFFFFF  }
0x4a: {  	[tilespmem:s28], [sflag:$0x1] =	stream.indirect_vreg.gather [hbm4b:s2+s13], $0x1, v2, vm0, $0x4038;
	[tilespmem:$0x8400] =	vst v63  }
0x4b: {  	s18 =	sor.u32 $0x380, s18;
	(ifvalue) =	ssetifvalue $0x7FFFFFFF;
	v2 =	vadd.s32 $0x7A1400, v0  }
0x4c: {  	s18 =	sadd.s32 s18, s17;
	(ifvalue) =	ssetifvalue $0x7FFFFFFF  }
0x4d: {  	[tilespmem:s18], [sflag:$0x1] =	stream.indirect_vreg.gather [hbm4b:s2+s13], $0x1, v1, vm0, $0x4038;
	[tilespmem:$0x8400] =	vst v63  }
0x4e: {  	(ifvalue) =	ssetifvalue $0x7FFFFFFF;
	v1 =	vadd.s32 $0x7A1480, v0  }
0x4f: {  	s29 =	sadd.s32 $0x1000, s20;
	(ifvalue) =	ssetifvalue $0x7FFFFFFF  }
0x50: {  	[tilespmem:s29], [sflag:$0x1] =	stream.indirect_vreg.gather [hbm4b:s2+s13], $0x1, v2, vm0, $0x4038;
	[tilespmem:$0x8400] =	vst v63  }
0x51: {  	(ifvalue) =	ssetifvalue $0x7FFFFFFF;
	v2 =	vadd.s32 $0x7A1500, v0  }
0x52: {  	s30 =	sadd.s32 $0x1080, s20;
	(ifvalue) =	ssetifvalue $0x7FFFFFFF  }
0x53: {  	[tilespmem:s30], [sflag:$0x1] =	stream.indirect_vreg.gather [hbm4b:s2+s13], $0x1, v1, vm0, $0x4038;
	[tilespmem:$0x8400] =	vst v63  }
0x54: {  	(ifvalue) =	ssetifvalue $0x7FFFFFFF;
	v1 =	vadd.s32 $0x7A1580, v0  }
0x55: {  	s31 =	sadd.s32 $0x1100, s20;
	(ifvalue) =	ssetifvalue $0x7FFFFFFF  }
0x56: {  	[tilespmem:s31], [sflag:$0x1] =	stream.indirect_vreg.gather [hbm4b:s2+s13], $0x1, v2, vm0, $0x4038;
	[tilespmem:$0x8400] =	vst v63  }
0x57: {  	(ifvalue) =	ssetifvalue $0x7FFFFFFF;
	v2 =	vadd.s32 $0x7A1600, v0  }
0x58: {  	s21 =	sadd.s32 $0x1180, s20;
	(ifvalue) =	ssetifvalue $0x7FFFFFFF  }
0x59: {  	[tilespmem:s21], [sflag:$0x1] =	stream.indirect_vreg.gather [hbm4b:s2+s13], $0x1, v1, vm0, $0x4038;
	[tilespmem:$0x8400] =	vst v63  }
0x5a: {  	(ifvalue) =	ssetifvalue $0x7FFFFFFF;
	v1 =	vadd.s32 $0x7A1680, v0  }
0x5b: {  	s22 =	sadd.s32 $0x1200, s20;
	(ifvalue) =	ssetifvalue $0x7FFFFFFF  }
0x5c: {  	[tilespmem:s22], [sflag:$0x1] =	stream.indirect_vreg.gather [hbm4b:s2+s13], $0x1, v2, vm0, $0x4038;
	[tilespmem:$0x8400] =	vst v63  }
0x5d: {  	(ifvalue) =	ssetifvalue $0x7FFFFFFF;
	v2 =	vadd.s32 $0x7A1700, v0  }
0x5e: {  	s23 =	sadd.s32 $0x1280, s20;
	(ifvalue) =	ssetifvalue $0x7FFFFFFF  }
0x5f: {  	[tilespmem:s23], [sflag:$0x1] =	stream.indirect_vreg.gather [hbm4b:s2+s13], $0x1, v1, vm0, $0x4038;
	[tilespmem:$0x8400] =	vst v63  }
0x60: {  	(ifvalue) =	ssetifvalue $0x7FFFFFFF;
	v1 =	vadd.s32 $0x7A1780, v0  }
0x61: {  	s24 =	sadd.s32 $0x1300, s20;
	(ifvalue) =	ssetifvalue $0x7FFFFFFF  }
0x62: {  	[tilespmem:s24], [sflag:$0x1] =	stream.indirect_vreg.gather [hbm4b:s2+s13], $0x1, v2, vm0, $0x4038;
	[tilespmem:$0x8400] =	vst v63  }
0x63: {  	(ifvalue) =	ssetifvalue $0x7FFFFFFF;
	v2 =	vadd.s32 $0xF42800, v0  }
0x64: {  	s25 =	sadd.s32 $0x1380, s20;
	(ifvalue) =	ssetifvalue $0x7FFFFFFF  }
0x65: {  	[tilespmem:s25], [sflag:$0x1] =	stream.indirect_vreg.gather [hbm4b:s2+s13], $0x1, v1, vm0, $0x4038;
	[tilespmem:$0x8400] =	vst v63  }
0x66: {  	(ifvalue) =	ssetifvalue $0x7FFFFFFF;
	v1 =	vadd.s32 $0xF42880, v0  }
0x67: {  	s26 =	sadd.s32 $0x2000, s20;
	(ifvalue) =	ssetifvalue $0x7FFFFFFF  }
0x68: {  	[tilespmem:s26], [sflag:$0x1] =	stream.indirect_vreg.gather [hbm4b:s2+s13], $0x1, v2, vm0, $0x4038;
	[tilespmem:$0x8400] =	vst v63  }
0x69: {  	(ifvalue) =	ssetifvalue $0x7FFFFFFF;
	v2 =	vadd.s32 $0xF42900, v0  }
0x6a: {  	s28 =	sadd.s32 $0x2080, s20;
	(ifvalue) =	ssetifvalue $0x7FFFFFFF  }
0x6b: {  	[tilespmem:s28], [sflag:$0x1] =	stream.indirect_vreg.gather [hbm4b:s2+s13], $0x1, v1, vm0, $0x4038;
	[tilespmem:$0x8400] =	vst v63  }
0x6c: {  	(ifvalue) =	ssetifvalue $0x7FFFFFFF;
	v1 =	vadd.s32 $0xF42980, v0  }
0x6d: {  	s29 =	sadd.s32 $0x2100, s20;
	(ifvalue) =	ssetifvalue $0x7FFFFFFF  }
0x6e: {  	[tilespmem:s29], [sflag:$0x1] =	stream.indirect_vreg.gather [hbm4b:s2+s13], $0x1, v2, vm0, $0x4038;
	[tilespmem:$0x8400] =	vst v63  }
0x6f: {  	(ifvalue) =	ssetifvalue $0x7FFFFFFF;
	v2 =	vadd.s32 $0xF42A00, v0  }
0x70: {  	s30 =	sadd.s32 $0x2180, s20;
	(ifvalue) =	ssetifvalue $0x7FFFFFFF  }
0x71: {  	[tilespmem:s30], [sflag:$0x1] =	stream.indirect_vreg.gather [hbm4b:s2+s13], $0x1, v1, vm0, $0x4038;
	[tilespmem:$0x8400] =	vst v63  }
0x72: {  	(ifvalue) =	ssetifvalue $0x7FFFFFFF;
	v1 =	vadd.s32 $0xF42A80, v0  }
0x73: {  	s31 =	sadd.s32 $0x2200, s20;
	(ifvalue) =	ssetifvalue $0x7FFFFFFF  }
0x74: {  	[tilespmem:s31], [sflag:$0x1] =	stream.indirect_vreg.gather [hbm4b:s2+s13], $0x1, v2, vm0, $0x4038;
	[tilespmem:$0x8400] =	vst v63  }
0x75: {  	(ifvalue) =	ssetifvalue $0x7FFFFFFF;
	v2 =	vadd.s32 $0xF42B00, v0  }
0x76: {  	s21 =	sadd.s32 $0x2280, s20;
	(ifvalue) =	ssetifvalue $0x7FFFFFFF  }
0x77: {  	[tilespmem:s21], [sflag:$0x1] =	stream.indirect_vreg.gather [hbm4b:s2+s13], $0x1, v1, vm0, $0x4038;
	[tilespmem:$0x8400] =	vst v63  }
0x78: {  	(ifvalue) =	ssetifvalue $0x7FFFFFFF;
	v1 =	vadd.s32 $0xF42B80, v0  }
0x79: {  	s22 =	sadd.s32 $0x2300, s20;
	(ifvalue) =	ssetifvalue $0x7FFFFFFF  }
0x7a: {  	[tilespmem:s22], [sflag:$0x1] =	stream.indirect_vreg.gather [hbm4b:s2+s13], $0x1, v2, vm0, $0x4038;
	[tilespmem:$0x8400] =	vst v63  }
0x7b: {  	(ifvalue) =	ssetifvalue $0x7FFFFFFF;
	v2 =	vadd.s32 $0x16E3C00, v0  }
0x7c: {  	s23 =	sadd.s32 $0x2380, s20;
	(ifvalue) =	ssetifvalue $0x7FFFFFFF  }
0x7d: {  	[tilespmem:s23], [sflag:$0x1] =	stream.indirect_vreg.gather [hbm4b:s2+s13], $0x1, v1, vm0, $0x4038;
	[tilespmem:$0x8400] =	vst v63  }
0x7e: {  	(ifvalue) =	ssetifvalue $0x7FFFFFFF;
	v1 =	vadd.s32 $0x16E3C80, v0  }
0x7f: {  	s24 =	sadd.s32 $0x3000, s20;
	(ifvalue) =	ssetifvalue $0x7FFFFFFF  }
0x80: {  	[tilespmem:s24], [sflag:$0x1] =	stream.indirect_vreg.gather [hbm4b:s2+s13], $0x1, v2, vm0, $0x4038;
	[tilespmem:$0x8400] =	vst v63  }
0x81: {  	(ifvalue) =	ssetifvalue $0x7FFFFFFF;
	v2 =	vadd.s32 $0x16E3D00, v0  }
0x82: {  	s25 =	sadd.s32 $0x3080, s20;
	(ifvalue) =	ssetifvalue $0x7FFFFFFF  }
0x83: {  	[tilespmem:s25], [sflag:$0x1] =	stream.indirect_vreg.gather [hbm4b:s2+s13], $0x1, v1, vm0, $0x4038;
	[tilespmem:$0x8400] =	vst v63  }
0x84: {  	(ifvalue) =	ssetifvalue $0x7FFFFFFF;
	v1 =	vadd.s32 $0x16E3D80, v0  }
0x85: {  	s26 =	sadd.s32 $0x3100, s20;
	(ifvalue) =	ssetifvalue $0x7FFFFFFF  }
0x86: {  	[tilespmem:s26], [sflag:$0x1] =	stream.indirect_vreg.gather [hbm4b:s2+s13], $0x1, v2, vm0, $0x4038;
	[tilespmem:$0x8400] =	vst v63  }
0x87: {  	(ifvalue) =	ssetifvalue $0x7FFFFFFF;
	v2 =	vadd.s32 $0x16E3E00, v0  }
0x88: {  	s28 =	sadd.s32 $0x3180, s20;
	(ifvalue) =	ssetifvalue $0x7FFFFFFF  }
0x89: {  	[tilespmem:s28], [sflag:$0x1] =	stream.indirect_vreg.gather [hbm4b:s2+s13], $0x1, v1, vm0, $0x4038;
	[tilespmem:$0x8400] =	vst v63  }
0x8a: {  	(ifvalue) =	ssetifvalue $0x7FFFFFFF;
	v1 =	vadd.s32 $0x16E3E80, v0  }
0x8b: {  	s29 =	sadd.s32 $0x3200, s20;
	(ifvalue) =	ssetifvalue $0x7FFFFFFF  }
0x8c: {  	[tilespmem:s29], [sflag:$0x1] =	stream.indirect_vreg.gather [hbm4b:s2+s13], $0x1, v2, vm0, $0x4038;
	[tilespmem:$0x8400] =	vst v63  }
0x8d: {  	(ifvalue) =	ssetifvalue $0x7FFFFFFF;
	v2 =	vadd.s32 $0x16E3F00, v0  }
0x8e: {  	s30 =	sadd.s32 $0x3280, s20;
	(ifvalue) =	ssetifvalue $0x7FFFFFFF  }
0x8f: {  	[tilespmem:s30], [sflag:$0x1] =	stream.indirect_vreg.gather [hbm4b:s2+s13], $0x1, v1, vm0, $0x4038;
	[tilespmem:$0x8400] =	vst v63  }
0x90: {  	v0 =	vadd.s32 $0x16E3F80, v0;
	(ifvalue) =	ssetifvalue $0x7FFFFFFF  }
0x91: {  	s31 =	sadd.s32 $0x3300, s20;
	(ifvalue) =	ssetifvalue $0x7FFFFFFF  }
0x92: {  	[tilespmem:s31], [sflag:$0x1] =	stream.indirect_vreg.gather [hbm4b:s2+s13], $0x1, v2, vm0, $0x4038;
	[tilespmem:$0x8400] =	vst v63  }
0x93: {  	s19 =	sadd.s32 $0x10, s19;
	s18 =	simm.s32 $0x10;
	(ifvalue) =	ssetifvalue $0x7FFFFFFF  }
0x94: {  	s21 =	sadd.s32 $0x3380, s20;
	s20 =	simm.s32 $0x80;
	(ifvalue) =	ssetifvalue $0x7FFFFFFF  }
.LBB2_3:
0x95: {  	[tilespmem:s21], [sflag:$0x1] =	stream.indirect_vreg.gather [hbm4b:s2+s13], $0x1, v0, vm0, $0x4038;
	[tilespmem:$0x8400] =	vst v63  }
0x96: {  	p1 =	sne.s32 s18, $0x1F0;
	s22 =	smov.u32 s18;
	s18 =	sadd.s32 $0x10, s18;
	v0 =	vld.msk [tilespmem:s19+$0x0 ss:$0x1], $0xffff  }
0x97: {  	(ifvalue) =	ssetifvalue $0x7FFFFFFF;
	_ =	sdelay $0x4  }
0x98: {  	vm1 =	vgt.s32 v0, $0x0  }
0x99: {  	v0 =	vnsel vm1, $0x0, v0  }
0x9a: {  	v0 =	vmin.u32 v0, $0xF423F  }
0x9b: {  	v1 =	vshll.u32 v0, $0x3  }
0x9c: {  	v0 =	vand.u32 $0x7F, v0;
	v1 =	vand.u32 $0x7FFC00, v1  }
0x9d: {  	v0 =	vor.u32 v0, v1;
	_ =	sdelay $0x1  }
0x9e: {  	s21 =	sand.u32 $0xC00, s20  }
0x9f: {  	s23 =	sand.u32 $0x70, s22;
	s21 =	sadd.s32 s21, s17;
	v1 =	vor.u32 $0x80, v0  }
0xa0: {  	s21 =	sadd.s32 s23, s21;
	(ifvalue) =	ssetifvalue $0x7FFFFFFF  }
0xa1: {  	[tilespmem:s21], [sflag:$0x1] =	stream.indirect_vreg.gather [hbm4b:s2+s13], $0x1, v0, vm0, $0x4038;
	[tilespmem:$0x8400] =	vst v63  }
0xa2: {  	v2 =	vor.u32 $0x100, v0;
	(ifvalue) =	ssetifvalue $0x7FFFFFFF  }
0xa3: {  	s23 =	sadd.s32 $0x80, s21;
	(ifvalue) =	ssetifvalue $0x7FFFFFFF  }
0xa4: {  	[tilespmem:s23], [sflag:$0x1] =	stream.indirect_vreg.gather [hbm4b:s2+s13], $0x1, v1, vm0, $0x4038;
	[tilespmem:$0x8400] =	vst v63  }
0xa5: {  	v1 =	vor.u32 $0x180, v0;
	(ifvalue) =	ssetifvalue $0x7FFFFFFF  }
0xa6: {  	s23 =	sadd.s32 $0x100, s21;
	(ifvalue) =	ssetifvalue $0x7FFFFFFF  }
0xa7: {  	[tilespmem:s23], [sflag:$0x1] =	stream.indirect_vreg.gather [hbm4b:s2+s13], $0x1, v2, vm0, $0x4038;
	[tilespmem:$0x8400] =	vst v63  }
0xa8: {  	v2 =	vor.u32 $0x200, v0;
	(ifvalue) =	ssetifvalue $0x7FFFFFFF  }
0xa9: {  	s23 =	sadd.s32 $0x180, s21;
	(ifvalue) =	ssetifvalue $0x7FFFFFFF  }
0xaa: {  	[tilespmem:s23], [sflag:$0x1] =	stream.indirect_vreg.gather [hbm4b:s2+s13], $0x1, v1, vm0, $0x4038;
	[tilespmem:$0x8400] =	vst v63  }
0xab: {  	v1 =	vor.u32 $0x280, v0;
	(ifvalue) =	ssetifvalue $0x7FFFFFFF  }
0xac: {  	s23 =	sadd.s32 $0x200, s21;
	(ifvalue) =	ssetifvalue $0x7FFFFFFF  }
0xad: {  	[tilespmem:s23], [sflag:$0x1] =	stream.indirect_vreg.gather [hbm4b:s2+s13], $0x1, v2, vm0, $0x4038;
	[tilespmem:$0x8400] =	vst v63  }
0xae: {  	v2 =	vor.u32 $0x300, v0;
	(ifvalue) =	ssetifvalue $0x7FFFFFFF  }
0xaf: {  	s23 =	sadd.s32 $0x280, s21;
	(ifvalue) =	ssetifvalue $0x7FFFFFFF  }
0xb0: {  	[tilespmem:s23], [sflag:$0x1] =	stream.indirect_vreg.gather [hbm4b:s2+s13], $0x1, v1, vm0, $0x4038;
	[tilespmem:$0x8400] =	vst v63  }
0xb1: {  	v1 =	vor.u32 $0x380, v0;
	(ifvalue) =	ssetifvalue $0x7FFFFFFF  }
0xb2: {  	s22 =	sor.u32 s20, s22;
	s23 =	sadd.s32 $0x300, s21;
	(ifvalue) =	ssetifvalue $0x7FFFFFFF  }
0xb3: {  	[tilespmem:s23], [sflag:$0x1] =	stream.indirect_vreg.gather [hbm4b:s2+s13], $0x1, v2, vm0, $0x4038;
	[tilespmem:$0x8400] =	vst v63  }
0xb4: {  	s22 =	sor.u32 $0x380, s22;
	v2 =	vadd.s32 $0x7A1400, v0;
	(ifvalue) =	ssetifvalue $0x7FFFFFFF  }
0xb5: {  	s22 =	sadd.s32 s22, s17;
	(ifvalue) =	ssetifvalue $0x7FFFFFFF  }
0xb6: {  	[tilespmem:s22], [sflag:$0x1] =	stream.indirect_vreg.gather [hbm4b:s2+s13], $0x1, v1, vm0, $0x4038;
	[tilespmem:$0x8400] =	vst v63  }
0xb7: {  	v1 =	vadd.s32 $0x7A1480, v0;
	(ifvalue) =	ssetifvalue $0x7FFFFFFF  }
0xb8: {  	s22 =	sadd.s32 $0x1000, s21;
	(ifvalue) =	ssetifvalue $0x7FFFFFFF  }
0xb9: {  	[tilespmem:s22], [sflag:$0x1] =	stream.indirect_vreg.gather [hbm4b:s2+s13], $0x1, v2, vm0, $0x4038;
	[tilespmem:$0x8400] =	vst v63  }
0xba: {  	v2 =	vadd.s32 $0x7A1500, v0;
	(ifvalue) =	ssetifvalue $0x7FFFFFFF  }
0xbb: {  	s22 =	sadd.s32 $0x1080, s21;
	(ifvalue) =	ssetifvalue $0x7FFFFFFF  }
0xbc: {  	[tilespmem:s22], [sflag:$0x1] =	stream.indirect_vreg.gather [hbm4b:s2+s13], $0x1, v1, vm0, $0x4038;
	[tilespmem:$0x8400] =	vst v63  }
0xbd: {  	v1 =	vadd.s32 $0x7A1580, v0;
	(ifvalue) =	ssetifvalue $0x7FFFFFFF  }
0xbe: {  	s22 =	sadd.s32 $0x1100, s21;
	(ifvalue) =	ssetifvalue $0x7FFFFFFF  }
0xbf: {  	[tilespmem:s22], [sflag:$0x1] =	stream.indirect_vreg.gather [hbm4b:s2+s13], $0x1, v2, vm0, $0x4038;
	[tilespmem:$0x8400] =	vst v63  }
0xc0: {  	v2 =	vadd.s32 $0x7A1600, v0;
	(ifvalue) =	ssetifvalue $0x7FFFFFFF  }
0xc1: {  	s22 =	sadd.s32 $0x1180, s21;
	(ifvalue) =	ssetifvalue $0x7FFFFFFF  }
0xc2: {  	[tilespmem:s22], [sflag:$0x1] =	stream.indirect_vreg.gather [hbm4b:s2+s13], $0x1, v1, vm0, $0x4038;
	[tilespmem:$0x8400] =	vst v63  }
0xc3: {  	v1 =	vadd.s32 $0x7A1680, v0;
	(ifvalue) =	ssetifvalue $0x7FFFFFFF  }
0xc4: {  	s22 =	sadd.s32 $0x1200, s21;
	(ifvalue) =	ssetifvalue $0x7FFFFFFF  }
0xc5: {  	[tilespmem:s22], [sflag:$0x1] =	stream.indirect_vreg.gather [hbm4b:s2+s13], $0x1, v2, vm0, $0x4038;
	[tilespmem:$0x8400] =	vst v63  }
0xc6: {  	v2 =	vadd.s32 $0x7A1700, v0;
	(ifvalue) =	ssetifvalue $0x7FFFFFFF  }
0xc7: {  	s22 =	sadd.s32 $0x1280, s21;
	(ifvalue) =	ssetifvalue $0x7FFFFFFF  }
0xc8: {  	[tilespmem:s22], [sflag:$0x1] =	stream.indirect_vreg.gather [hbm4b:s2+s13], $0x1, v1, vm0, $0x4038;
	[tilespmem:$0x8400] =	vst v63  }
0xc9: {  	v1 =	vadd.s32 $0x7A1780, v0;
	(ifvalue) =	ssetifvalue $0x7FFFFFFF  }
0xca: {  	s22 =	sadd.s32 $0x1300, s21;
	(ifvalue) =	ssetifvalue $0x7FFFFFFF  }
0xcb: {  	[tilespmem:s22], [sflag:$0x1] =	stream.indirect_vreg.gather [hbm4b:s2+s13], $0x1, v2, vm0, $0x4038;
	[tilespmem:$0x8400] =	vst v63  }
0xcc: {  	v2 =	vadd.s32 $0xF42800, v0;
	(ifvalue) =	ssetifvalue $0x7FFFFFFF  }
0xcd: {  	s22 =	sadd.s32 $0x1380, s21;
	(ifvalue) =	ssetifvalue $0x7FFFFFFF  }
0xce: {  	[tilespmem:s22], [sflag:$0x1] =	stream.indirect_vreg.gather [hbm4b:s2+s13], $0x1, v1, vm0, $0x4038;
	[tilespmem:$0x8400] =	vst v63  }
0xcf: {  	v1 =	vadd.s32 $0xF42880, v0;
	(ifvalue) =	ssetifvalue $0x7FFFFFFF  }
0xd0: {  	s22 =	sadd.s32 $0x2000, s21;
	(ifvalue) =	ssetifvalue $0x7FFFFFFF  }
0xd1: {  	[tilespmem:s22], [sflag:$0x1] =	stream.indirect_vreg.gather [hbm4b:s2+s13], $0x1, v2, vm0, $0x4038;
	[tilespmem:$0x8400] =	vst v63  }
0xd2: {  	v2 =	vadd.s32 $0xF42900, v0;
	(ifvalue) =	ssetifvalue $0x7FFFFFFF  }
0xd3: {  	s22 =	sadd.s32 $0x2080, s21;
	(ifvalue) =	ssetifvalue $0x7FFFFFFF  }
0xd4: {  	[tilespmem:s22], [sflag:$0x1] =	stream.indirect_vreg.gather [hbm4b:s2+s13], $0x1, v1, vm0, $0x4038;
	[tilespmem:$0x8400] =	vst v63  }
0xd5: {  	v1 =	vadd.s32 $0xF42980, v0;
	(ifvalue) =	ssetifvalue $0x7FFFFFFF  }
0xd6: {  	s22 =	sadd.s32 $0x2100, s21;
	(ifvalue) =	ssetifvalue $0x7FFFFFFF  }
0xd7: {  	[tilespmem:s22], [sflag:$0x1] =	stream.indirect_vreg.gather [hbm4b:s2+s13], $0x1, v2, vm0, $0x4038;
	[tilespmem:$0x8400] =	vst v63  }
0xd8: {  	v2 =	vadd.s32 $0xF42A00, v0;
	(ifvalue) =	ssetifvalue $0x7FFFFFFF  }
0xd9: {  	s22 =	sadd.s32 $0x2180, s21;
	(ifvalue) =	ssetifvalue $0x7FFFFFFF  }
0xda: {  	[tilespmem:s22], [sflag:$0x1] =	stream.indirect_vreg.gather [hbm4b:s2+s13], $0x1, v1, vm0, $0x4038;
	[tilespmem:$0x8400] =	vst v63  }
0xdb: {  	v1 =	vadd.s32 $0xF42A80, v0;
	(ifvalue) =	ssetifvalue $0x7FFFFFFF  }
0xdc: {  	s22 =	sadd.s32 $0x2200, s21;
	(ifvalue) =	ssetifvalue $0x7FFFFFFF  }
0xdd: {  	[tilespmem:s22], [sflag:$0x1] =	stream.indirect_vreg.gather [hbm4b:s2+s13], $0x1, v2, vm0, $0x4038;
	[tilespmem:$0x8400] =	vst v63  }
0xde: {  	v2 =	vadd.s32 $0xF42B00, v0;
	(ifvalue) =	ssetifvalue $0x7FFFFFFF  }
0xdf: {  	s22 =	sadd.s32 $0x2280, s21;
	(ifvalue) =	ssetifvalue $0x7FFFFFFF  }
0xe0: {  	[tilespmem:s22], [sflag:$0x1] =	stream.indirect_vreg.gather [hbm4b:s2+s13], $0x1, v1, vm0, $0x4038;
	[tilespmem:$0x8400] =	vst v63  }
0xe1: {  	v1 =	vadd.s32 $0xF42B80, v0;
	(ifvalue) =	ssetifvalue $0x7FFFFFFF  }
0xe2: {  	s22 =	sadd.s32 $0x2300, s21;
	(ifvalue) =	ssetifvalue $0x7FFFFFFF  }
0xe3: {  	[tilespmem:s22], [sflag:$0x1] =	stream.indirect_vreg.gather [hbm4b:s2+s13], $0x1, v2, vm0, $0x4038;
	[tilespmem:$0x8400] =	vst v63  }
0xe4: {  	v2 =	vadd.s32 $0x16E3C00, v0;
	(ifvalue) =	ssetifvalue $0x7FFFFFFF  }
0xe5: {  	s22 =	sadd.s32 $0x2380, s21;
	(ifvalue) =	ssetifvalue $0x7FFFFFFF  }
0xe6: {  	[tilespmem:s22], [sflag:$0x1] =	stream.indirect_vreg.gather [hbm4b:s2+s13], $0x1, v1, vm0, $0x4038;
	[tilespmem:$0x8400] =	vst v63  }
0xe7: {  	v1 =	vadd.s32 $0x16E3C80, v0;
	(ifvalue) =	ssetifvalue $0x7FFFFFFF  }
0xe8: {  	s22 =	sadd.s32 $0x3000, s21;
	(ifvalue) =	ssetifvalue $0x7FFFFFFF  }
0xe9: {  	[tilespmem:s22], [sflag:$0x1] =	stream.indirect_vreg.gather [hbm4b:s2+s13], $0x1, v2, vm0, $0x4038;
	[tilespmem:$0x8400] =	vst v63  }
0xea: {  	v2 =	vadd.s32 $0x16E3D00, v0;
	(ifvalue) =	ssetifvalue $0x7FFFFFFF  }
0xeb: {  	s22 =	sadd.s32 $0x3080, s21;
	(ifvalue) =	ssetifvalue $0x7FFFFFFF  }
0xec: {  	[tilespmem:s22], [sflag:$0x1] =	stream.indirect_vreg.gather [hbm4b:s2+s13], $0x1, v1, vm0, $0x4038;
	[tilespmem:$0x8400] =	vst v63  }
0xed: {  	v1 =	vadd.s32 $0x16E3D80, v0;
	(ifvalue) =	ssetifvalue $0x7FFFFFFF  }
0xee: {  	s22 =	sadd.s32 $0x3100, s21;
	(ifvalue) =	ssetifvalue $0x7FFFFFFF  }
0xef: {  	[tilespmem:s22], [sflag:$0x1] =	stream.indirect_vreg.gather [hbm4b:s2+s13], $0x1, v2, vm0, $0x4038;
	[tilespmem:$0x8400] =	vst v63  }
0xf0: {  	v2 =	vadd.s32 $0x16E3E00, v0;
	(ifvalue) =	ssetifvalue $0x7FFFFFFF  }
0xf1: {  	s22 =	sadd.s32 $0x3180, s21;
	(ifvalue) =	ssetifvalue $0x7FFFFFFF  }
0xf2: {  	[tilespmem:s22], [sflag:$0x1] =	stream.indirect_vreg.gather [hbm4b:s2+s13], $0x1, v1, vm0, $0x4038;
	[tilespmem:$0x8400] =	vst v63  }
0xf3: {  	v1 =	vadd.s32 $0x16E3E80, v0;
	(ifvalue) =	ssetifvalue $0x7FFFFFFF  }
0xf4: {  	s22 =	sadd.s32 $0x3200, s21;
	(ifvalue) =	ssetifvalue $0x7FFFFFFF  }
0xf5: {  	[tilespmem:s22], [sflag:$0x1] =	stream.indirect_vreg.gather [hbm4b:s2+s13], $0x1, v2, vm0, $0x4038;
	[tilespmem:$0x8400] =	vst v63  }
0xf6: {  	v2 =	vadd.s32 $0x16E3F00, v0;
	(ifvalue) =	ssetifvalue $0x7FFFFFFF  }
0xf7: {  	s22 =	sadd.s32 $0x3280, s21;
	(ifvalue) =	ssetifvalue $0x7FFFFFFF  }
0xf8: {  	[tilespmem:s22], [sflag:$0x1] =	stream.indirect_vreg.gather [hbm4b:s2+s13], $0x1, v1, vm0, $0x4038;
	[tilespmem:$0x8400] =	vst v63  }
.Ltmp3:
0xf9: {  	v0 =	vadd.s32 $0x16E3F80, v0;
	(ifvalue) =	ssetifvalue $0x7FFFFFFF;
	(pc) =	sbr.rel @p1 .LBB2_3-.Ltmp3, $4  }
0xfa: {  	s22 =	sadd.s32 $0x3300, s21;
	(ifvalue) =	ssetifvalue $0x7FFFFFFF  }
0xfb: {  	[tilespmem:s22], [sflag:$0x1] =	stream.indirect_vreg.gather [hbm4b:s2+s13], $0x1, v2, vm0, $0x4038;
	[tilespmem:$0x8400] =	vst v63  }
0xfc: {  	s19 =	sadd.s32 $0x10, s19;
	(ifvalue) =	ssetifvalue $0x7FFFFFFF  }
0xfd: {  	s20 =	sadd.s32 $0x80, s20;
	s21 =	sadd.s32 $0x3380, s21;
	(ifvalue) =	ssetifvalue $0x7FFFFFFF  }
.Ltmp4:
0xfe: {  	_ = 	snop;
	(pc) =	sbr.rel .LBB2_4-.Ltmp4, $1  }
0xff: {  	_ =	sdelay $0x3  }
.LBB2_6:
0x100: {  	_ =	sfence.sel $0x180000  }
0x101: {  	s2 =	simm.s32 $0x2;
	[bflag:$0x0] =	sbarrier.arrive $0xFFFF  }
0x102: {  	s30 =	simm.s32 $0x3;
	[sflag:s2] =	ssyncpa.u1 $0x1  }
0x103: {  	s31 =	simm.s32 $0x1;
	[sflag:s30] =	ssyncpa.u1 $0x1  }
0x104: {  	[sflag:s31] =	ssyncpa.u1 $0x1  }
0x105: {  	p0 =	sne.s32 s1, $0x0;
	_ =	strace $0x9000004A  }
0x106: {  	s0 =	sadd.s32 @!p0 $0x100000, s0;
	[bflag:$0x2] =	sbarrier.arrive $0xFFFF  }
0x107: {  	[sflag:s0] =	ssyncadd.tile.s32 @!p0 $0x1;
	_ =	shalt  }
.Lfunc_end2:
_tile_overlayer_lowered:
.L_overlay_start_2:
0x108: {  	(tag) =	ssettag $0x2  }
0x109: {  	s0 =	rddreg [dreg:$0x0];
	s2 =	stileid.u32  }
0x10a: {  	s1 =	rddreg [dreg:$0x1];
	p0 =	sne.s32 s2, $0x0  }
0x10b: {  	s3 =	rddreg [dreg:$0x2];
	[bflag:$0x3] =	sbarrier.arrive $0xFFFF;
	s2 =	simm.s32 @!p0 $0x1C01  }
0x10c: {  	[timem:s3], [sflag:s2] =	dma.local @!p0 [hbm:s0], s1  }
0x10d: {  	s0 =	simm.s32 @!p0 $0x1  }
0x10e: {  	_ =	swait.ge @!p0 [sflag:s0], s1  }
0x10f: {  	s1 =	ssub.s32 @!p0 $0x0, s1;
	[sflag:s0] =	ssyncset.done @!p0 $0x0  }
0x110: {  	[sflag:s0] =	ssyncadd.s32 @!p0 s1  }
0x111: {  	[bflag:$0x3] =	sbarrier.arrive $0xFFFF  }
0x112: {  	_ =	shalt  }

// kernel: kernel.5.cloned.1.call-start
scs
__scs_entry_jumppad:
0x0: {  	(pc) =	sbr.rel $0x88, $3  }
0x1: {  	(tag) =	ssettag $0x0;
	lr =	simm.s32 $0x1  }
0x2: {  	[smem:$0x3F93] =	sst lr;
	_ =	strace $0xD0000000  }
0x3: {  	_ = 	snop  }
0x4: {  	_ = 	snop  }
0x5: {  	_ = 	snop  }
0x6: {  	_ = 	snop  }
0x7: {  	_ = 	snop  }
__scs_overlays_trampoline_lowered:
0x8: {  	[smem:$0x3FA2] =	sst s0  }
0x9: {  	[smem:$0x3FA3] =	sst s1  }
0xa: {  	[smem:$0x3FA4] =	sst s2  }
0xb: {  	[smem:$0x3FA5] =	sst s3  }
0xc: {  	[smem:$0x3FA6] =	sst s4  }
0xd: {  	[smem:$0x3FA7] =	sst s5  }
0xe: {  	[smem:$0x3FA8] =	sst s6  }
0xf: {  	[smem:$0x3FA9] =	sst s7  }
0x10: {  	[smem:$0x3FAA] =	sst s8  }
0x11: {  	[smem:$0x3FAB] =	sst s9;
	s0 =	simm.s32 @!p0 $0x0  }
0x12: {  	s1 =	sld [smem:$0x3F91];
	s0 =	simm.s32 @p0 $0x1  }
0x13: {  	[smem:$0x3FAC] =	sst s0;
	s0 =	simm.s32 @!p1 $0x0  }
0x14: {  	s2 =	sld [smem:$0x3F90];
	s0 =	simm.s32 @p1 $0x1  }
0x15: {  	[smem:$0x3FAD] =	sst s0;
	s0 =	simm.s32 @!p2 $0x0  }
0x16: {  	s3 =	sld [smem:$0x3FDB];
	s0 =	simm.s32 @p2 $0x1  }
0x17: {  	s4 =	simm.s32 $0x1BF5;
	[smem:$0x3FAF] =	sst s0  }
0x18: {  	s0 =	sld [smem:$0x3F92];
	_ =	swait.ge [sflag:s4], $0x0  }
0x19: {  	s7 =	sld [smem:$0x3F93]  }
0x1a: {  	s8 =	sadd.s32 $0xFFFFE003, lr  }
0x1b: {  	s9 =	sadd.s32 $0xFFFFFEF7, lr;
	s5 =	simm.s32 $0xFFFFFFFF;
	p2 =	slt.u32 s8, $0xFFFFF086  }
0x1c: {  	p1 =	slt.u32 s9, $0xF7A;
	s5 =	simm.s32 @!p2 $0x0  }
0x1d: {  	s5 =	simm.s32 @p1 $0x1;
	p0 =	seq.s32 s7, s2  }
0x1e: {  	s7 =	smul.u32 @!p0 $0xF7A, s2;
	p2 =	seq.s32 @!p0 s5, $0x0  }
0x1f: {  	s9 =	smul.u32 $0xF7A, s1;
	s8 =	simm.s32 @!p0 $0x1BF5;
	p2 =	por !p2, p0  }
0x20: {  	[sflag:s8] =	ssyncset.s32 @!p0 $0xFFFFF086;
	s6 =	sadd.s32 @!p0 s3, s7;
	s7 =	simm.s32 @!p0 $0x108  }
0x21: {  	s3 =	sadd.s32 s3, s9;
	s6 =	sadd.s32 @!p0 $0x88, s6;
	s7 =	simm.s32 @p2 $0x1082  }
0x22: {  	[simem:s7], [sflag:s8] =	dma.local @!p0 [hbm:s6], $0xF7A  }
0x23: {  	s9 =	sor.u32 $0xD0000000, s2;
	s6 =	simm.s32 $0x108;
	_ =	swait.ge @!p0 [sflag:s8], $0x0  }
0x24: {  	s3 =	sadd.s32 $0x88, s3;
	s6 =	simm.s32 @!p1 $0x1082;
	[sflag:s4] =	ssyncset.s32 $0xFFFFF086  }
0x25: {  	[simem:s6], [sflag:s4] =	dma.local [hbm:s3], $0xF7A  }
0x26: {  	[smem:$0x3F93] =	sst s1;
	(tag) =	ssettag s2;
	_ =	strace s9  }
0x27: {  	s1 =	sld [smem:$0x3FA3]  }
0x28: {  	s2 =	sld [smem:$0x3FA4]  }
0x29: {  	s4 =	sld [smem:$0x3FA6]  }
0x2a: {  	p0 =	seq.s32 s5, $0x0;
	s5 =	sld [smem:$0x3FA7]  }
0x2b: {  	s6 =	sld [smem:$0x3FA8]  }
0x2c: {  	s7 =	sld [smem:$0x3FA9]  }
0x2d: {  	s3 =	simm.s32 $0x108;
	s8 =	sld [smem:$0x3FAA]  }
0x2e: {  	s3 =	simm.s32 @!p0 $0x1082;
	s9 =	sld [smem:$0x3FAB]  }
0x2f: {  	lr =	sadd.s32 s0, s3;
	s0 =	sld [smem:$0x3FA2]  }
0x30: {  	s3 =	sld [smem:$0x3FA5]  }
0x31: {  	[smem:$0x3FAE] =	sst s10  }
0x32: {  	s10 =	sld [smem:$0x3FAC];
	_ =	sdelay $0x3  }
0x33: {  	p0 =	seq.s32 s10, $0x1;
	s10 =	sld [smem:$0x3FAE];
	_ =	sdelay $0x3  }
0x34: {  	[smem:$0x3FAE] =	sst s10  }
0x35: {  	s10 =	sld [smem:$0x3FAD];
	_ =	sdelay $0x3  }
0x36: {  	p1 =	seq.s32 s10, $0x1;
	s10 =	sld [smem:$0x3FAE];
	_ =	sdelay $0x3  }
0x37: {  	[smem:$0x3FAE] =	sst s10  }
0x38: {  	s10 =	sld [smem:$0x3FAF]  }
0x39: {  	_ = 	snop;
	(pc) =	sbr.ind lr, $3  }
0x3a: {  	_ = 	snop  }
0x3b: {  	_ = 	snop  }
0x3c: {  	p2 =	seq.s32 s10, $0x1;
	s10 =	sld [smem:$0x3FAE]  }
0x3d: {  	_ =	shalt  }
0x3e: {  	_ =	shalt  }
0x3f: {  	_ =	shalt  }
0x40: {  	_ =	shalt  }
0x41: {  	_ =	shalt  }
0x42: {  	_ =	shalt  }
0x43: {  	_ =	shalt  }
0x44: {  	_ =	shalt  }
0x45: {  	_ =	shalt  }
0x46: {  	_ =	shalt  }
0x47: {  	_ =	shalt  }
0x48: {  	_ =	shalt  }
0x49: {  	_ =	shalt  }
0x4a: {  	_ =	shalt  }
0x4b: {  	_ =	shalt  }
0x4c: {  	_ =	shalt  }
0x4d: {  	_ =	shalt  }
0x4e: {  	_ =	shalt  }
0x4f: {  	_ =	shalt  }
0x50: {  	_ =	shalt  }
0x51: {  	_ =	shalt  }
0x52: {  	_ =	shalt  }
0x53: {  	_ =	shalt  }
0x54: {  	_ =	shalt  }
0x55: {  	_ =	shalt  }
0x56: {  	_ =	shalt  }
0x57: {  	_ =	shalt  }
0x58: {  	_ =	shalt  }
0x59: {  	_ =	shalt  }
0x5a: {  	_ =	shalt  }
0x5b: {  	_ =	shalt  }
0x5c: {  	_ =	shalt  }
0x5d: {  	_ =	shalt  }
0x5e: {  	_ =	shalt  }
0x5f: {  	_ =	shalt  }
0x60: {  	_ =	shalt  }
0x61: {  	_ =	shalt  }
0x62: {  	_ =	shalt  }
0x63: {  	_ =	shalt  }
0x64: {  	_ =	shalt  }
0x65: {  	_ =	shalt  }
0x66: {  	_ =	shalt  }
0x67: {  	_ =	shalt  }
0x68: {  	_ =	shalt  }
0x69: {  	_ =	shalt  }
0x6a: {  	_ =	shalt  }
0x6b: {  	_ =	shalt  }
0x6c: {  	_ =	shalt  }
0x6d: {  	_ =	shalt  }
0x6e: {  	_ =	shalt  }
0x6f: {  	_ =	shalt  }
0x70: {  	_ =	shalt  }
0x71: {  	_ =	shalt  }
0x72: {  	_ =	shalt  }
0x73: {  	_ =	shalt  }
0x74: {  	_ =	shalt  }
0x75: {  	_ =	shalt  }
0x76: {  	_ =	shalt  }
0x77: {  	_ =	shalt  }
0x78: {  	_ =	shalt  }
0x79: {  	_ =	shalt  }
0x7a: {  	_ =	shalt  }
0x7b: {  	_ =	shalt  }
0x7c: {  	_ =	shalt  }
0x7d: {  	_ =	shalt  }
0x7e: {  	_ =	shalt  }
0x7f: {  	_ =	shalt  }
0x80: {  	_ =	shalt  }
0x81: {  	_ =	shalt  }
0x82: {  	_ =	shalt  }
0x83: {  	_ =	shalt  }
0x84: {  	_ =	shalt  }
0x85: {  	_ =	shalt  }
0x86: {  	_ =	shalt  }
0x87: {  	_ =	shalt  }
.Lfunc_end0:
.L_simem_size_0:
called_computation.2_lowered:
.L_overlay_start_0:
0x88: {  	s2 =	sld [smem:$0x3FD9]  }
0x89: {  	s3 =	sld [smem:$0x3FFE];
	_ =	sdelay $0x1  }
0x8a: {  	s1 =	srdreg.scid  }
0x8b: {  	s0 =	sand.u32 $0x1, s1  }
0x8c: {  	s17 =	sshll.u32 s0, $0xA;
	s2 =	sadd.s32 s3, s2  }
0x8d: {  	s2 =	sadd.s32 s2, s17  }
0x8e: {  	[smem:$0x3FBA] =	sst s2  }
0x8f: {  	_ = 	snop  }
0x90: {  	s2 =	sld [smem:$0x3FC9]  }
0x91: {  	s18 =	sld [smem:$0x3FC8]  }
0x92: {  	s4 =	sld [smem:$0x3FC5]  }
0x93: {  	s5 =	sld [smem:$0x3FC4];
	(tm) =	ssettm $0x1  }
0x94: {  	s6 =	sld [smem:$0x3FFB];
	_ =	sdelay $0x3  }
0x95: {  	_ =	strace s6  }
0x96: {  	s6 =	sld [smem:$0x3FFC];
	_ =	sdelay $0x3  }
0x97: {  	_ =	strace s6  }
0x98: {  	s6 =	sld [smem:$0x3FFD];
	_ =	sdelay $0x3  }
0x99: {  	_ =	strace s6  }
0x9a: {  	_ =	strace $0x8FFFFFFF  }
0x9b: {  	s19 =	sld [smem:$0x3FDB];
	_ =	sdelay $0x1  }
0x9c: {  	s7 =	simm.s32 $_scs_section_size  }
0x9d: {  	s8 =	simm.s32 $_size__tile_overlayer_lowered;
	s9 =	simm.s32 $_tile_overlayer_lowered  }
0x9e: {  	s22 =	simm.s32 $0x1BFF;
	s21 =	sshll.u32 s9, $0x1;
	s6 =	sadd.s32 s7, s19  }
0x9f: {  	s10 =	simm.s32 $0x0;
	s20 =	sshll.u32 s8, $0x1;
	s8 =	sadd.s32 s21, s6  }
0xa0: {  	[timem:s10], [sflag:s22] =	dma.local [hbm:s8], s20  }
0xa1: {  	_ =	swait.ge [sflag:s22], s20  }
0xa2: {  	s7 =	ssub.s32 $0x0, s20;
	[sflag:s22] =	ssyncset.done $0x0  }
0xa3: {  	[sflag:s22] =	ssyncadd.s32 s7;
	_ =	sdelay $0x1  }
0xa4: {  	s23 =	simm.s32 $0x1B8B  }
0xa5: {  	_ =	swait.ge [sflag:s23], $0x1  }
0xa6: {  	[sflag:s23] =	ssyncset.done $0x0  }
0xa7: {  	s25 =	simm.s32 $0x1B8E;
	s24 =	sld [smem:$0x3FFE];
	[sflag:s23] =	ssyncadd.s32 $0xFFFFFFFF  }
0xa8: {  	s26 =	simm.s32 $execute0_lowered;
	[smem:$0x3FD2] =	sst s25  }
0xa9: {  	s8 =	sshll.u32 s26, $0x1;
	_ =	strace $0x80000046;
	[dreg:$0x1] =	wrdreg $0xFFFFFFFF  }
0xaa: {  	s28 =	simm.s32 $_size_execute0_lowered;
	s6 =	sadd.s32 s6, s8;
	[dreg:$0x0] =	wrdreg $0x0  }
0xab: {  	s8 =	sshll.u32 s28, $0x1;
	[dreg:$0x2] =	wrdreg s6  }
0xac: {  	[dreg:$0x3] =	wrdreg s8  }
0xad: {  	[dreg:$0x4] =	wrdreg $0xC0  }
0xae: {  	_ =	task [dreg:s10], $0x5FFFF  }
0xaf: {  	[dreg:$0x1] =	wrdreg $0xFFFFFFFF  }
0xb0: {  	[dreg:$0x0] =	wrdreg $0x60  }
0xb1: {  	[dreg:$0x2] =	wrdreg s2  }
0xb2: {  	[dreg:$0x3] =	wrdreg s18  }
0xb3: {  	[dreg:$0x4] =	wrdreg s4  }
0xb4: {  	[dreg:$0x5] =	wrdreg s5  }
0xb5: {  	[dreg:$0x6] =	wrdreg s24  }
0xb6: {  	[dreg:$0x7] =	wrdreg $0x9  }
0xb7: {  	_ =	task.clear_ibuf [dreg:s10], $0x8FFFF;
	_ =	strace $0x90000046  }
0xb8: {  	s29 =	simm.s32 $0x9;
	_ =	strace $0x80000048  }
0xb9: {  	_ =	swait.ge [sflag:s29], $0x1  }
0xba: {  	[sflag:s29] =	ssyncadd.s32 $0xFFFFFFFF  }
0xbb: {  	_ =	strace $0x90000048  }
0xbc: {  	_ =	sfence  }
0xbd: {  	s30 =	sld [smem:$0x0];
	_ =	sdelay $0x2  }
0xbe: {  	s31 =	sshll.u32 s1, $0xD;
	s1 =	sshrl.u32 s1, $0x2  }
0xbf: {  	s3 =	sand.u32 $0x4000, s31;
	s1 =	sadd.s32 s1, s30  }
0xc0: {  	s0 =	sor.u32 s3, s0;
	s1 =	sshll.u32 s1, $0x11  }
0xc1: {  	s0 =	sor.u32 s1, s0  }
0xc2: {  	s0 =	sadd.s32 $0x8F2B, s0  }
0xc3: {  	[sflag:s0] =	ssyncadd.remote.s32 $0x1  }
0xc4: {  	_ =	sfence.sel $0xFFFF  }
0xc5: {  	[dreg:$0x0] =	wrdreg $0xFFFFFFFF;
	(pc) =	sbr.abs _section_cstart, $3  }
0xc6: {  	[dreg:$0x1] =	wrdreg $0xFFFFFFFF  }
0xc7: {  	_ =	task.clear_ibuf [dreg:s10], $0x2FFFF;
	_ =	strace $0x9FFFFFFF  }
0xc8: {  	(tm) =	ssettm $0x7FFFFFFF  }
0xc9: {  	_ =	shalt  }
tec
execute0_lowered:
.L_overlay_start_1:
0x0: {  	(tag) =	ssettag $0x1  }
0x1: {  	s0 =	rddreg [dreg:$0x0]  }
0x2: {  	s5 =	rddreg [dreg:$0x1]  }
0x3: {  	s3 =	rddreg [dreg:$0x2]  }
0x4: {  	s4 =	rddreg [dreg:$0x3]  }
0x5: {  	s6 =	rddreg [dreg:$0x4];
	s2 =	simm.s32 $0x0;
	s7 =	srdreg.scid  }
0x6: {  	s1 =	stileid.u32;
	s28 =	simm.s32 $0x3;
	s26 =	simm.s32 $0x200  }
0x7: {  	s15 =	simm.s32 $0x80;
	s30 =	simm.s32 $0x280;
	s25 =	simm.s32 $0x100  }
0x8: {  	s16 =	simm.s32 $0x8400;
	p0 =	por $0x0, $0x0;
	s29 =	simm.s32 $0x300  }
0x9: {  	s18 =	simm.s32 $0x14400;
	[smem:$0x7FF] =	sst s2;
	s10 =	sadd.s32 $0x3000, s6  }
0xa: {  	s7 =	sand.u32 $0x1, s7;
	s9 =	sshll.u32 s1, $0x7;
	s6 =	sadd.s32 $0x43000, s6  }
0xb: {  	s20 =	sshll.u32 s1, $0xE;
	_ =	strace $0x80000047;
	s8 =	ssub.s32 $0x2, s7  }
0xc: {  	s11 =	sshll.u32 s7, $0x6;
	s7 =	sshll.u32 s7, $0xD;
	s12 =	sshrl.u32 s8, $0x1  }
0xd: {  	s9 =	sor.u32 s11, s9;
	s21 =	sor.u32 s7, s20;
	s11 =	simm.s32 $0xC400  }
0xe: {  	s20 =	simm.s32 $0x4400;
	s0 =	sadd.s32 s0, s9;
	s12 =	ssub.s32 s8, s12  }
0xf: {  	s24 =	sadd.s32 s5, s9;
	s17 =	sadd.s32 s10, s21;
	s22 =	sor.u32 $0x800, s21  }
0x10: {  	s19 =	sadd.s32 s6, s21;
	s7 =	sor.u32 $0x1000, s21;
	s23 =	smax.u32 s12, $0x1  }
0x11: {  	[dreg:$0x6] =	wrdreg s0;
	s13 =	sadd.s32 s10, s22;
	p1 =	sne.s32 s23, $0x1  }
.Ltmp0:
0x12: {  	s14 =	sadd.s32 s6, s22;
	s8 =	sadd.s32 s10, s7;
	(pc) =	sbr.rel @!p1 .LBB2_3-.Ltmp0, $4  }
0x13: {  	s0 =	sor.u32 $0x1800, s21;
	s9 =	sadd.s32 s6, s7;
	s21 =	simm.s32 $0x10400  }
0x14: {  	s12 =	simm.s32 $0x1;
	s7 =	simm.s32 $0x2;
	s22 =	simm.s32 $0x180  }
0x15: {  	s5 =	sadd.s32 s10, s0;
	s6 =	sadd.s32 s6, s0;
	s10 =	simm.s32 $0x400  }
0x16: {  	s31 =	sadd.s32 $0xFFFFFFFF, s23;
	s23 =	simm.s32 $0x380;
	s0 =	rddreg [dreg:$0x6]  }
0x17: {  	[tilespmem:s2], [sflag:$0x3] =	stream.linear.gather [hbm4b:s0+s2], $0x200, $0x38;
	[tilespmem:$0x18400] =	vst v63  }
0x18: {  	_ =	swait.ge [sflag:s28], $0x200  }
0x19: {  	[sflag:s28] =	ssyncset.done $0x0  }
0x1a: {  	[sflag:s28] =	ssyncadd.s32 $0xFFFFFE00  }
0x1b: {  	[tilespmem:s26], [sflag:$0x3] =	stream.linear.gather [hbm4b:s24+s2], $0x200, $0x38;
	[tilespmem:$0x18400] =	vst v63  }
0x1c: {  	_ =	swait.ge [sflag:s28], $0x200  }
0x1d: {  	[sflag:s28] =	ssyncset.done $0x0  }
0x1e: {  	[sflag:s28] =	ssyncadd.s32 $0xFFFFFE00  }
0x1f: {  	[tilespmem:s10], [sflag:$0x1] =	stream.indirect.gather [hbm4b:s3+s15], $0x80, s2, s15, $0xb8;
	[tilespmem:$0x18400] =	vst v63  }
0x20: {  	_ = 	snop  }
0x21: {  	[tilespmem:s11], [sflag:$0x1] =	stream.indirect.gather [hbm4b:s4+s15], $0x80, s26, s15, $0xb8;
	[tilespmem:$0x18400] =	vst v63  }
0x22: {  	_ = 	snop  }
0x23: {  	[tilespmem:s20], [sflag:$0x1] =	stream.indirect.gather [hbm4b:s3+s15], $0x80, s15, s15, $0xb8;
	[tilespmem:$0x18400] =	vst v63  }
0x24: {  	_ = 	snop  }
0x25: {  	[tilespmem:s21], [sflag:$0x1] =	stream.indirect.gather [hbm4b:s4+s15], $0x80, s30, s15, $0xb8;
	[tilespmem:$0x18400] =	vst v63  }
0x26: {  	_ =	swait.ge [sflag:s12], $0x4000  }
0x27: {  	[sflag:s12] =	ssyncset.done $0x0  }
0x28: {  	[sflag:s12] =	ssyncadd.s32 $0xFFFFC000  }
0x29: {  	_ =	swait.ge [sflag:s12], $0x4000  }
0x2a: {  	[sflag:s12] =	ssyncset.done $0x0  }
0x2b: {  	[sflag:s12] =	ssyncadd.s32 $0xFFFFC000  }
0x2c: {  	[hbm4b:s17+s2] =	stream.linear.scatter [tilespmem:s10], [sflag:$0x2], $0x4000, $0x38;
	[tilespmem:$0x18400] =	vst v63  }
0x2d: {  	_ = 	snop  }
0x2e: {  	[hbm4b:s19+s2] =	stream.linear.scatter [tilespmem:s11], [sflag:$0x2], $0x4000, $0x38;
	[tilespmem:$0x18400] =	vst v63  }
0x2f: {  	_ = 	snop  }
0x30: {  	[tilespmem:s16], [sflag:$0x1] =	stream.indirect.gather [hbm4b:s3+s15], $0x80, s25, s15, $0xb8;
	[tilespmem:$0x18400] =	vst v63  }
0x31: {  	_ = 	snop  }
0x32: {  	[tilespmem:s18], [sflag:$0x1] =	stream.indirect.gather [hbm4b:s4+s15], $0x80, s29, s15, $0xb8;
	[tilespmem:$0x18400] =	vst v63  }
0x33: {  	_ =	swait.ge [sflag:s12], $0x4000  }
0x34: {  	[sflag:s12] =	ssyncset.done $0x0  }
0x35: {  	[sflag:s12] =	ssyncadd.s32 $0xFFFFC000  }
0x36: {  	_ =	swait.ge [sflag:s12], $0x4000  }
0x37: {  	[sflag:s12] =	ssyncset.done $0x0  }
0x38: {  	[sflag:s12] =	ssyncadd.s32 $0xFFFFC000  }
0x39: {  	[hbm4b:s13+s2] =	stream.linear.scatter [tilespmem:s20], [sflag:$0x2], $0x4000, $0x38;
	[tilespmem:$0x18400] =	vst v63  }
0x3a: {  	_ = 	snop  }
0x3b: {  	[hbm4b:s14+s2] =	stream.linear.scatter [tilespmem:s21], [sflag:$0x2], $0x4000, $0x38;
	[tilespmem:$0x18400] =	vst v63  }
0x3c: {  	_ =	swait.ge [sflag:s7], $0x4000  }
0x3d: {  	[sflag:s7] =	ssyncset.done $0x0  }
0x3e: {  	[sflag:s7] =	ssyncadd.s32 $0xFFFFC000  }
0x3f: {  	_ =	swait.ge [sflag:s7], $0x4000  }
0x40: {  	[sflag:s7] =	ssyncset.done $0x0  }
0x41: {  	[sflag:s7] =	ssyncadd.s32 $0xFFFFC000  }
0x42: {  	[tilespmem:s10], [sflag:$0x1] =	stream.indirect.gather [hbm4b:s3+s15], $0x80, s22, s15, $0xb8;
	[tilespmem:$0x18400] =	vst v63  }
0x43: {  	_ = 	snop  }
0x44: {  	[tilespmem:s11], [sflag:$0x1] =	stream.indirect.gather [hbm4b:s4+s15], $0x80, s23, s15, $0xb8;
	[tilespmem:$0x18400] =	vst v63  }
0x45: {  	_ =	swait.ge [sflag:s12], $0x4000  }
0x46: {  	[sflag:s12] =	ssyncset.done $0x0  }
0x47: {  	[sflag:s12] =	ssyncadd.s32 $0xFFFFC000  }
0x48: {  	_ =	swait.ge [sflag:s12], $0x4000  }
0x49: {  	[sflag:s12] =	ssyncset.done $0x0  }
0x4a: {  	[sflag:s12] =	ssyncadd.s32 $0xFFFFC000  }
0x4b: {  	[hbm4b:s8+s2] =	stream.linear.scatter [tilespmem:s16], [sflag:$0x2], $0x4000, $0x38;
	[tilespmem:$0x18400] =	vst v63  }
0x4c: {  	_ = 	snop  }
0x4d: {  	[hbm4b:s9+s2] =	stream.linear.scatter [tilespmem:s18], [sflag:$0x2], $0x4000, $0x38;
	[tilespmem:$0x18400] =	vst v63  }
0x4e: {  	_ =	swait.ge [sflag:s12], $0x4000  }
0x4f: {  	[sflag:s12] =	ssyncset.done $0x0  }
0x50: {  	[sflag:s12] =	ssyncadd.s32 $0xFFFFC000  }
0x51: {  	_ =	swait.ge [sflag:s12], $0x4000  }
0x52: {  	[sflag:s12] =	ssyncset.done $0x0  }
0x53: {  	[sflag:s12] =	ssyncadd.s32 $0xFFFFC000  }
0x54: {  	[hbm4b:s5+s2] =	stream.linear.scatter [tilespmem:s10], [sflag:$0x2], $0x4000, $0x38;
	[tilespmem:$0x18400] =	vst v63  }
0x55: {  	_ = 	snop  }
0x56: {  	[hbm4b:s6+s2] =	stream.linear.scatter [tilespmem:s11], [sflag:$0x2], $0x4000, $0x38;
	[tilespmem:$0x18400] =	vst v63  }
0x57: {  	_ =	swait.ge [sflag:s7], $0x4000  }
0x58: {  	[sflag:s7] =	ssyncset.done $0x0  }
0x59: {  	[sflag:s7] =	ssyncadd.s32 $0xFFFFC000  }
0x5a: {  	_ =	swait.ge [sflag:s7], $0x4000  }
0x5b: {  	[sflag:s7] =	ssyncset.done $0x0  }
0x5c: {  	[sflag:s7] =	ssyncadd.s32 $0xFFFFC000  }
0x5d: {  	_ =	swait.ge [sflag:s7], $0x4000  }
0x5e: {  	[sflag:s7] =	ssyncset.done $0x0  }
0x5f: {  	[sflag:s7] =	ssyncadd.s32 $0xFFFFC000  }
0x60: {  	_ =	swait.ge [sflag:s7], $0x4000  }
0x61: {  	[sflag:s7] =	ssyncset.done $0x0  }
0x62: {  	p1 =	sne.s32 s31, $0x1;
	[sflag:s7] =	ssyncadd.s32 $0xFFFFC000  }
.Ltmp1:
0x63: {  	_ =	swait.ge [sflag:s7], $0x4000;
	(pc) =	sbr.rel @!p1 .LBB2_3-.Ltmp1, $4  }
0x64: {  	[sflag:s7] =	ssyncset.done $0x0  }
0x65: {  	[sflag:s7] =	ssyncadd.s32 $0xFFFFC000  }
0x66: {  	s31 =	sadd.s32 $0xFFFFFFFF, s31;
	_ =	swait.ge [sflag:s7], $0x4000  }
0x67: {  	p0 =	por $0x1, $0x1;
	s0 =	rddreg [dreg:$0x6];
	[sflag:s7] =	ssyncset.done $0x0  }
.LBB2_2:
0x68: {  	[sflag:s7] =	ssyncadd.s32 $0xFFFFC000  }
0x69: {  	[tilespmem:s2], [sflag:$0x3] =	stream.linear.gather [hbm4b:s0+s2], $0x200, $0x38;
	[tilespmem:$0x18400] =	vst v63  }
0x6a: {  	_ =	swait.ge [sflag:s28], $0x200  }
0x6b: {  	[sflag:s28] =	ssyncset.done $0x0  }
0x6c: {  	[sflag:s28] =	ssyncadd.s32 $0xFFFFFE00  }
0x6d: {  	[tilespmem:s26], [sflag:$0x3] =	stream.linear.gather [hbm4b:s24+s2], $0x200, $0x38;
	[tilespmem:$0x18400] =	vst v63  }
0x6e: {  	_ =	swait.ge [sflag:s28], $0x200  }
0x6f: {  	[sflag:s28] =	ssyncset.done $0x0  }
0x70: {  	[sflag:s28] =	ssyncadd.s32 $0xFFFFFE00  }
0x71: {  	[tilespmem:s10], [sflag:$0x1] =	stream.indirect.gather [hbm4b:s3+s15], $0x80, s2, s15, $0xb8;
	[tilespmem:$0x18400] =	vst v63  }
0x72: {  	_ = 	snop  }
0x73: {  	[tilespmem:s11], [sflag:$0x1] =	stream.indirect.gather [hbm4b:s4+s15], $0x80, s26, s15, $0xb8;
	[tilespmem:$0x18400] =	vst v63  }
0x74: {  	_ = 	snop  }
0x75: {  	[tilespmem:s20], [sflag:$0x1] =	stream.indirect.gather [hbm4b:s3+s15], $0x80, s15, s15, $0xb8;
	[tilespmem:$0x18400] =	vst v63  }
0x76: {  	_ = 	snop  }
0x77: {  	[tilespmem:s21], [sflag:$0x1] =	stream.indirect.gather [hbm4b:s4+s15], $0x80, s30, s15, $0xb8;
	[tilespmem:$0x18400] =	vst v63  }
0x78: {  	_ =	swait.ge [sflag:s12], $0x4000  }
0x79: {  	[sflag:s12] =	ssyncset.done $0x0  }
0x7a: {  	[sflag:s12] =	ssyncadd.s32 $0xFFFFC000  }
0x7b: {  	_ =	swait.ge [sflag:s12], $0x4000  }
0x7c: {  	[sflag:s12] =	ssyncset.done $0x0  }
0x7d: {  	[sflag:s12] =	ssyncadd.s32 $0xFFFFC000  }
0x7e: {  	[hbm4b:s17+s2] =	stream.linear.scatter [tilespmem:s10], [sflag:$0x2], $0x4000, $0x38;
	[tilespmem:$0x18400] =	vst v63  }
0x7f: {  	_ = 	snop  }
0x80: {  	[hbm4b:s19+s2] =	stream.linear.scatter [tilespmem:s11], [sflag:$0x2], $0x4000, $0x38;
	[tilespmem:$0x18400] =	vst v63  }
0x81: {  	_ = 	snop  }
0x82: {  	[tilespmem:s16], [sflag:$0x1] =	stream.indirect.gather [hbm4b:s3+s15], $0x80, s25, s15, $0xb8;
	[tilespmem:$0x18400] =	vst v63  }
0x83: {  	_ = 	snop  }
0x84: {  	[tilespmem:s18], [sflag:$0x1] =	stream.indirect.gather [hbm4b:s4+s15], $0x80, s29, s15, $0xb8;
	[tilespmem:$0x18400] =	vst v63  }
0x85: {  	_ =	swait.ge [sflag:s12], $0x4000  }
0x86: {  	[sflag:s12] =	ssyncset.done $0x0  }
0x87: {  	[sflag:s12] =	ssyncadd.s32 $0xFFFFC000  }
0x88: {  	_ =	swait.ge [sflag:s12], $0x4000  }
0x89: {  	[sflag:s12] =	ssyncset.done $0x0  }
0x8a: {  	[sflag:s12] =	ssyncadd.s32 $0xFFFFC000  }
0x8b: {  	[hbm4b:s13+s2] =	stream.linear.scatter [tilespmem:s20], [sflag:$0x2], $0x4000, $0x38;
	[tilespmem:$0x18400] =	vst v63  }
0x8c: {  	_ = 	snop  }
0x8d: {  	[hbm4b:s14+s2] =	stream.linear.scatter [tilespmem:s21], [sflag:$0x2], $0x4000, $0x38;
	[tilespmem:$0x18400] =	vst v63  }
0x8e: {  	_ =	swait.ge [sflag:s7], $0x4000  }
0x8f: {  	[sflag:s7] =	ssyncset.done $0x0  }
0x90: {  	[sflag:s7] =	ssyncadd.s32 $0xFFFFC000  }
0x91: {  	_ =	swait.ge [sflag:s7], $0x4000  }
0x92: {  	[sflag:s7] =	ssyncset.done $0x0  }
0x93: {  	[sflag:s7] =	ssyncadd.s32 $0xFFFFC000  }
0x94: {  	[tilespmem:s10], [sflag:$0x1] =	stream.indirect.gather [hbm4b:s3+s15], $0x80, s22, s15, $0xb8;
	[tilespmem:$0x18400] =	vst v63  }
0x95: {  	_ = 	snop  }
0x96: {  	[tilespmem:s11], [sflag:$0x1] =	stream.indirect.gather [hbm4b:s4+s15], $0x80, s23, s15, $0xb8;
	[tilespmem:$0x18400] =	vst v63  }
0x97: {  	_ =	swait.ge [sflag:s12], $0x4000  }
0x98: {  	[sflag:s12] =	ssyncset.done $0x0  }
0x99: {  	[sflag:s12] =	ssyncadd.s32 $0xFFFFC000  }
0x9a: {  	_ =	swait.ge [sflag:s12], $0x4000  }
0x9b: {  	[sflag:s12] =	ssyncset.done $0x0  }
0x9c: {  	[sflag:s12] =	ssyncadd.s32 $0xFFFFC000  }
0x9d: {  	[hbm4b:s8+s2] =	stream.linear.scatter [tilespmem:s16], [sflag:$0x2], $0x4000, $0x38;
	[tilespmem:$0x18400] =	vst v63  }
0x9e: {  	_ = 	snop  }
0x9f: {  	[hbm4b:s9+s2] =	stream.linear.scatter [tilespmem:s18], [sflag:$0x2], $0x4000, $0x38;
	[tilespmem:$0x18400] =	vst v63  }
0xa0: {  	_ =	swait.ge [sflag:s12], $0x4000  }
0xa1: {  	[sflag:s12] =	ssyncset.done $0x0  }
0xa2: {  	[sflag:s12] =	ssyncadd.s32 $0xFFFFC000  }
0xa3: {  	_ =	swait.ge [sflag:s12], $0x4000  }
0xa4: {  	[sflag:s12] =	ssyncset.done $0x0  }
0xa5: {  	[sflag:s12] =	ssyncadd.s32 $0xFFFFC000  }
0xa6: {  	[hbm4b:s5+s2] =	stream.linear.scatter [tilespmem:s10], [sflag:$0x2], $0x4000, $0x38;
	[tilespmem:$0x18400] =	vst v63  }
0xa7: {  	_ = 	snop  }
0xa8: {  	[hbm4b:s6+s2] =	stream.linear.scatter [tilespmem:s11], [sflag:$0x2], $0x4000, $0x38;
	[tilespmem:$0x18400] =	vst v63  }
0xa9: {  	_ =	swait.ge [sflag:s7], $0x4000  }
0xaa: {  	[sflag:s7] =	ssyncset.done $0x0  }
0xab: {  	[sflag:s7] =	ssyncadd.s32 $0xFFFFC000  }
0xac: {  	_ =	swait.ge [sflag:s7], $0x4000  }
0xad: {  	[sflag:s7] =	ssyncset.done $0x0  }
0xae: {  	[sflag:s7] =	ssyncadd.s32 $0xFFFFC000  }
0xaf: {  	_ =	swait.ge [sflag:s7], $0x4000  }
0xb0: {  	[sflag:s7] =	ssyncset.done $0x0  }
0xb1: {  	[sflag:s7] =	ssyncadd.s32 $0xFFFFC000  }
0xb2: {  	_ =	swait.ge [sflag:s7], $0x4000  }
0xb3: {  	[sflag:s7] =	ssyncset.done $0x0  }
0xb4: {  	p1 =	sne.s32 s31, $0x1;
	[sflag:s7] =	ssyncadd.s32 $0xFFFFC000  }
.Ltmp2:
0xb5: {  	_ =	swait.ge [sflag:s7], $0x4000;
	(pc) =	sbr.rel @p1 .LBB2_2-.Ltmp2, $4  }
0xb6: {  	[sflag:s7] =	ssyncset.done $0x0  }
0xb7: {  	[sflag:s7] =	ssyncadd.s32 $0xFFFFC000  }
0xb8: {  	_ =	swait.ge [sflag:s7], $0x4000  }
0xb9: {  	s31 =	sadd.s32 $0xFFFFFFFF, s31;
	s0 =	rddreg [dreg:$0x6];
	[sflag:s7] =	ssyncset.done $0x0  }
.LBB2_3:
0xba: {  	[sflag:s7] =	ssyncadd.s32 @p0 $0xFFFFC000  }
0xbb: {  	[tilespmem:s2], [sflag:$0x3] =	stream.linear.gather [hbm4b:s0+s2], $0x200, $0x38;
	[tilespmem:$0x18400] =	vst v63  }
0xbc: {  	_ =	swait.ge [sflag:s28], $0x200  }
0xbd: {  	[sflag:s28] =	ssyncset.done $0x0  }
0xbe: {  	[sflag:s28] =	ssyncadd.s32 $0xFFFFFE00  }
0xbf: {  	[tilespmem:s26], [sflag:$0x3] =	stream.linear.gather [hbm4b:s24+s2], $0x200, $0x38;
	[tilespmem:$0x18400] =	vst v63  }
0xc0: {  	_ =	swait.ge [sflag:s28], $0x200  }
0xc1: {  	[sflag:s28] =	ssyncset.done $0x0  }
0xc2: {  	[sflag:s28] =	ssyncadd.s32 $0xFFFFFE00  }
0xc3: {  	[tilespmem:s10], [sflag:$0x1] =	stream.indirect.gather [hbm4b:s3+s15], $0x80, s2, s15, $0xb8;
	[tilespmem:$0x18400] =	vst v63  }
0xc4: {  	_ = 	snop  }
0xc5: {  	[tilespmem:s11], [sflag:$0x1] =	stream.indirect.gather [hbm4b:s4+s15], $0x80, s26, s15, $0xb8;
	[tilespmem:$0x18400] =	vst v63  }
0xc6: {  	_ = 	snop  }
0xc7: {  	[tilespmem:s20], [sflag:$0x1] =	stream.indirect.gather [hbm4b:s3+s15], $0x80, s15, s15, $0xb8;
	[tilespmem:$0x18400] =	vst v63  }
0xc8: {  	_ = 	snop  }
0xc9: {  	[tilespmem:s21], [sflag:$0x1] =	stream.indirect.gather [hbm4b:s4+s15], $0x80, s30, s15, $0xb8;
	[tilespmem:$0x18400] =	vst v63  }
0xca: {  	_ =	swait.ge [sflag:s12], $0x4000  }
0xcb: {  	[sflag:s12] =	ssyncset.done $0x0  }
0xcc: {  	[sflag:s12] =	ssyncadd.s32 $0xFFFFC000  }
0xcd: {  	_ =	swait.ge [sflag:s12], $0x4000  }
0xce: {  	[sflag:s12] =	ssyncset.done $0x0  }
0xcf: {  	[sflag:s12] =	ssyncadd.s32 $0xFFFFC000  }
0xd0: {  	[hbm4b:s17+s2] =	stream.linear.scatter [tilespmem:s10], [sflag:$0x2], $0x4000, $0x38;
	[tilespmem:$0x18400] =	vst v63  }
0xd1: {  	_ = 	snop  }
0xd2: {  	[hbm4b:s19+s2] =	stream.linear.scatter [tilespmem:s11], [sflag:$0x2], $0x4000, $0x38;
	[tilespmem:$0x18400] =	vst v63  }
0xd3: {  	_ = 	snop  }
0xd4: {  	[tilespmem:s16], [sflag:$0x1] =	stream.indirect.gather [hbm4b:s3+s15], $0x80, s25, s15, $0xb8;
	[tilespmem:$0x18400] =	vst v63  }
0xd5: {  	_ = 	snop  }
0xd6: {  	[tilespmem:s18], [sflag:$0x1] =	stream.indirect.gather [hbm4b:s4+s15], $0x80, s29, s15, $0xb8;
	[tilespmem:$0x18400] =	vst v63  }
0xd7: {  	_ =	swait.ge [sflag:s12], $0x4000  }
0xd8: {  	[sflag:s12] =	ssyncset.done $0x0  }
0xd9: {  	[sflag:s12] =	ssyncadd.s32 $0xFFFFC000  }
0xda: {  	_ =	swait.ge [sflag:s12], $0x4000  }
0xdb: {  	[sflag:s12] =	ssyncset.done $0x0  }
0xdc: {  	[sflag:s12] =	ssyncadd.s32 $0xFFFFC000  }
0xdd: {  	[hbm4b:s13+s2] =	stream.linear.scatter [tilespmem:s20], [sflag:$0x2], $0x4000, $0x38;
	[tilespmem:$0x18400] =	vst v63  }
0xde: {  	_ = 	snop  }
0xdf: {  	[hbm4b:s14+s2] =	stream.linear.scatter [tilespmem:s21], [sflag:$0x2], $0x4000, $0x38;
	[tilespmem:$0x18400] =	vst v63  }
0xe0: {  	_ =	swait.ge [sflag:s7], $0x4000  }
0xe1: {  	[sflag:s7] =	ssyncset.done $0x0  }
0xe2: {  	[sflag:s7] =	ssyncadd.s32 $0xFFFFC000  }
0xe3: {  	_ =	swait.ge [sflag:s7], $0x4000  }
0xe4: {  	[sflag:s7] =	ssyncset.done $0x0  }
0xe5: {  	[sflag:s7] =	ssyncadd.s32 $0xFFFFC000  }
0xe6: {  	[tilespmem:s10], [sflag:$0x1] =	stream.indirect.gather [hbm4b:s3+s15], $0x80, s22, s15, $0xb8;
	[tilespmem:$0x18400] =	vst v63  }
0xe7: {  	_ = 	snop  }
0xe8: {  	[tilespmem:s11], [sflag:$0x1] =	stream.indirect.gather [hbm4b:s4+s15], $0x80, s23, s15, $0xb8;
	[tilespmem:$0x18400] =	vst v63  }
0xe9: {  	_ =	swait.ge [sflag:s12], $0x4000  }
0xea: {  	[sflag:s12] =	ssyncset.done $0x0  }
0xeb: {  	[sflag:s12] =	ssyncadd.s32 $0xFFFFC000  }
0xec: {  	_ =	swait.ge [sflag:s12], $0x4000  }
0xed: {  	[sflag:s12] =	ssyncset.done $0x0  }
0xee: {  	[sflag:s12] =	ssyncadd.s32 $0xFFFFC000  }
0xef: {  	[hbm4b:s8+s2] =	stream.linear.scatter [tilespmem:s16], [sflag:$0x2], $0x4000, $0x38;
	[tilespmem:$0x18400] =	vst v63  }
0xf0: {  	_ = 	snop  }
0xf1: {  	[hbm4b:s9+s2] =	stream.linear.scatter [tilespmem:s18], [sflag:$0x2], $0x4000, $0x38;
	[tilespmem:$0x18400] =	vst v63  }
0xf2: {  	_ =	swait.ge [sflag:s12], $0x4000  }
0xf3: {  	[sflag:s12] =	ssyncset.done $0x0  }
0xf4: {  	[sflag:s12] =	ssyncadd.s32 $0xFFFFC000  }
0xf5: {  	_ =	swait.ge [sflag:s12], $0x4000  }
0xf6: {  	[sflag:s12] =	ssyncset.done $0x0  }
0xf7: {  	[sflag:s12] =	ssyncadd.s32 $0xFFFFC000  }
0xf8: {  	[hbm4b:s5+s2] =	stream.linear.scatter [tilespmem:s10], [sflag:$0x2], $0x4000, $0x38;
	[tilespmem:$0x18400] =	vst v63  }
0xf9: {  	_ = 	snop  }
0xfa: {  	[hbm4b:s6+s2] =	stream.linear.scatter [tilespmem:s11], [sflag:$0x2], $0x4000, $0x38;
	[tilespmem:$0x18400] =	vst v63  }
0xfb: {  	_ =	swait.ge [sflag:s7], $0x4000  }
0xfc: {  	[sflag:s7] =	ssyncset.done $0x0  }
0xfd: {  	[sflag:s7] =	ssyncadd.s32 $0xFFFFC000  }
0xfe: {  	_ =	swait.ge [sflag:s7], $0x4000  }
0xff: {  	[sflag:s7] =	ssyncset.done $0x0  }
0x100: {  	[sflag:s7] =	ssyncadd.s32 $0xFFFFC000  }
0x101: {  	_ =	swait.ge [sflag:s7], $0x4000  }
0x102: {  	[sflag:s7] =	ssyncset.done $0x0  }
0x103: {  	[sflag:s7] =	ssyncadd.s32 $0xFFFFC000  }
0x104: {  	_ =	swait.ge [sflag:s7], $0x4000  }
0x105: {  	[sflag:s7] =	ssyncset.done $0x0  }
0x106: {  	[sflag:s7] =	ssyncadd.s32 $0xFFFFC000  }
0x107: {  	_ =	swait.ge [sflag:s7], $0x4000  }
0x108: {  	[sflag:s7] =	ssyncset.done $0x0  }
0x109: {  	[sflag:s7] =	ssyncadd.s32 $0xFFFFC000  }
0x10a: {  	_ =	swait.ge [sflag:s7], $0x4000  }
0x10b: {  	[sflag:s7] =	ssyncset.done $0x0  }
0x10c: {  	[sflag:s7] =	ssyncadd.s32 $0xFFFFC000  }
0x10d: {  	_ =	sfence.sel $0x180000  }
0x10e: {  	[bflag:$0x0] =	sbarrier.arrive $0xFFFF  }
0x10f: {  	_ =	strace $0x90000047  }
0x110: {  	[bflag:$0x2] =	sbarrier.arrive $0xFFFF  }
0x111: {  	p0 =	sne.s32 s1, $0x0;
	s0 =	rddreg [dreg:$0x5]  }
0x112: {  	s0 =	sadd.s32 @!p0 $0x100000, s0  }
0x113: {  	[sflag:s0] =	ssyncadd.tile.s32 @!p0 $0x1;
	_ =	shalt  }
.Lfunc_end2:
_tile_overlayer_lowered:
.L_overlay_start_2:
0x114: {  	(tag) =	ssettag $0x2  }
0x115: {  	s0 =	rddreg [dreg:$0x0];
	s2 =	stileid.u32  }
0x116: {  	s1 =	rddreg [dreg:$0x1];
	p0 =	sne.s32 s2, $0x0  }
0x117: {  	s3 =	rddreg [dreg:$0x2];
	[bflag:$0x3] =	sbarrier.arrive $0xFFFF;
	s2 =	simm.s32 @!p0 $0x1C03  }
0x118: {  	[timem:s3], [sflag:s2] =	dma.local @!p0 [hbm:s0], s1  }
0x119: {  	s0 =	simm.s32 @!p0 $0x3  }
0x11a: {  	_ =	swait.ge @!p0 [sflag:s0], s1  }
0x11b: {  	s1 =	ssub.s32 @!p0 $0x0, s1;
	[sflag:s0] =	ssyncset.done @!p0 $0x0  }
0x11c: {  	[sflag:s0] =	ssyncadd.s32 @!p0 s1  }
0x11d: {  	[bflag:$0x3] =	sbarrier.arrive $0xFFFF  }
0x11e: {  	_ =	shalt  }

</sc_bundles>
